<compile_context>
chip_gen: v7x
topology: tpu7x:2x2x1
jax: 0.10.2.dev20260603
libtpu: 0.0.44.dev20260713+nightly
codegen_flags: <defaults>
</compile_context>

<pallas_src>
import functools

import jax
import jax.numpy as jnp
from jax import lax
from jax.experimental import pallas as pl
from jax.experimental.pallas import tpu as pltpu
from jax.experimental.pallas import tpu_sc as plsc

N = 10000
E = 320000
D = 128
NC = 2
NS = 16
NW = NC * NS
B = 100
ROWS = E // B
RPT = ROWS // NW
NP = 10240
TR = NP // NS
IB = 25
NB = RPT // IB


def _mesh():
    return plsc.VectorSubcoreMesh(core_axis_name="c", subcore_axis_name="s")


@functools.partial(
    pl.kernel,
    out_type=jax.ShapeDtypeStruct((NC, NP), jnp.float32),
    mesh=_mesh(),
    scratch_types=[
        pltpu.VMEM((RPT, B), jnp.int32),
        pltpu.VMEM((112,), jnp.float32),
        pltpu.VMEM((TR,), jnp.float32),
        pltpu.VMEM_SHARED((NP,), jnp.float32),
        pltpu.SemaphoreType.DMA,
    ],
)
def _deg_kernel(dst_hbm, out_hbm, idx_v, ones_v, zbuf_v, acc_sh, sem):
    c = lax.axis_index("c")
    s = lax.axis_index("s")
    wid = s * NC + c

    def fill_ones(i, _):
        ones_v[pl.ds(i * 16, 16)] = jnp.full((16,), 1.0, jnp.float32)
        return 0

    lax.fori_loop(0, 112 // 16, fill_ones, 0)

    def fill_zero(i, _):
        zbuf_v[pl.ds(i * 16, 16)] = jnp.zeros((16,), jnp.float32)
        return 0

    lax.fori_loop(0, TR // 16, fill_zero, 0)

    pltpu.sync_copy(zbuf_v, acc_sh.at[pl.ds(s * TR, TR)])
    pltpu.sync_copy(dst_hbm.at[wid], idx_v)
    plsc.subcore_barrier()

    def body(j, _):
        pltpu.async_copy(ones_v.at[pl.ds(0, B)], acc_sh.at[idx_v.at[j]],
                         sem, add=True)

        @pl.when(j >= 3)
        def _():
            pltpu.make_async_copy(ones_v.at[pl.ds(0, B)],
                                  acc_sh.at[idx_v.at[j - 3]], sem).wait()

        return 0

    lax.fori_loop(0, RPT, body, 0)
    for t in range(3):
        pltpu.make_async_copy(ones_v.at[pl.ds(0, B)],
                              acc_sh.at[idx_v.at[RPT - 3 + t]], sem).wait()
    plsc.subcore_barrier()
    pltpu.sync_copy(acc_sh.at[pl.ds(s * TR, TR)],
                    out_hbm.at[c, pl.ds(s * TR, TR)])


@functools.partial(
    pl.kernel,
    out_type=jax.ShapeDtypeStruct((NC, NP, D), jnp.float32),
    mesh=_mesh(),
    scratch_types=[
        pltpu.VMEM((IB, B), jnp.int32),
        pltpu.VMEM((IB, B), jnp.int32),
        pltpu.VMEM((3, B, D), jnp.float32),
        pltpu.VMEM_SHARED((NP, D), jnp.float32),
        pltpu.SemaphoreType.DMA,
        pltpu.SemaphoreType.DMA,
    ],
)
def _edge_kernel(y_hbm, src_hbm, dst_hbm, out_hbm,
                 src_v, dst_v, rows_v, acc_sh, sem_g, sem_s):
    c = lax.axis_index("c")
    s = lax.axis_index("s")
    wid = s * NC + c

    def zrow(r, _):
        def zcol(k, _):
            rows_v[0, r, pl.ds(k * 16, 16)] = jnp.zeros((16,), jnp.float32)
            return 0

        lax.fori_loop(0, D // 16, zcol, 0)
        return 0

    lax.fori_loop(0, B, zrow, 0)

    for u in range(TR // 80):
        pltpu.sync_copy(rows_v.at[0, pl.ds(0, 80)],
                        acc_sh.at[pl.ds(s * TR + u * 80, 80)])

    plsc.subcore_barrier()

    def block(bk, _):
        pltpu.sync_copy(src_hbm.at[wid, bk], src_v)
        pltpu.sync_copy(dst_hbm.at[wid, bk], dst_v)
        pltpu.async_copy(y_hbm.at[src_v.at[0]], rows_v.at[0], sem_g)
        pltpu.async_copy(y_hbm.at[src_v.at[1]], rows_v.at[1], sem_g)

        def body(j, _):
            cur = lax.rem(j, 3)
            pltpu.make_async_copy(y_hbm.at[src_v.at[j]], rows_v.at[cur],
                                  sem_g).wait()

            @pl.when(j >= 1)
            def _():
                prev = lax.rem(j + 2, 3)
                pltpu.make_async_copy(rows_v.at[prev],
                                      acc_sh.at[dst_v.at[j - 1]],
                                      sem_s).wait()

            @pl.when(j + 2 < IB)
            def _():
                pltpu.async_copy(y_hbm.at[src_v.at[j + 2]],
                                 rows_v.at[lax.rem(j + 2, 3)], sem_g)

            pltpu.async_copy(rows_v.at[cur], acc_sh.at[dst_v.at[j]], sem_s,
                             add=True)
            return 0

        lax.fori_loop(0, IB, body, 0)
        pltpu.make_async_copy(rows_v.at[lax.rem(IB - 1, 3)],
                              acc_sh.at[dst_v.at[IB - 1]], sem_s).wait()
        return 0

    lax.fori_loop(0, NB, block, 0)
    plsc.subcore_barrier()
    pltpu.sync_copy(acc_sh.at[pl.ds(s * TR, TR)],
                    out_hbm.at[c, pl.ds(s * TR, TR)])


_RB = 1000
_G = N // _RB


def _rows_spec():
    return pl.BlockSpec((_RB, D), lambda i: (i, 0))


def _deg_spec(p):
    return pl.BlockSpec((1, _RB, 1), lambda i, _p=p: (_p, i, 0))


def _dis(d0_ref, d1_ref):
    return lax.rsqrt(d0_ref[0] + d1_ref[0] + 1.0)


def _matmul_scale(x, w, dp):

    def body(x_ref, w_ref, d0_ref, d1_ref, y_ref):
        y_ref[...] = jnp.dot(x_ref[...], w_ref[...],
                             preferred_element_type=jnp.float32) * _dis(d0_ref, d1_ref)

    return pl.pallas_call(
        body,
        grid=(_G,),
        in_specs=[_rows_spec(),
                  pl.BlockSpec((D, D), lambda i: (0, 0)),
                  _deg_spec(0), _deg_spec(1)],
        out_specs=_rows_spec(),
        out_shape=jax.ShapeDtypeStruct((N, D), jnp.float32),
    )(x, w, dp, dp)


def _part_spec(p):
    return pl.BlockSpec((1, _RB, D), lambda i, _p=p: (_p, i, 0))


def _mid_layer(sp, y1, dp, b1, w2):

    def body(s0_ref, s1_ref, y_ref, d0_ref, d1_ref, b_ref, w_ref, o_ref):
        d = _dis(d0_ref, d1_ref)
        h = jnp.maximum(d * (s0_ref[0] + s1_ref[0] + y_ref[...])
                        + b_ref[...], 0.0)
        o_ref[...] = jnp.dot(h, w_ref[...],
                             preferred_element_type=jnp.float32) * d

    return pl.pallas_call(
        body,
        grid=(_G,),
        in_specs=[_part_spec(0), _part_spec(1), _rows_spec(),
                  _deg_spec(0), _deg_spec(1),
                  pl.BlockSpec((1, D), lambda i: (0, 0)),
                  pl.BlockSpec((D, D), lambda i: (0, 0))],
        out_specs=_rows_spec(),
        out_shape=jax.ShapeDtypeStruct((N, D), jnp.float32),
    )(sp, sp, y1, dp, dp, b1, w2)


def _final_layer(sp, y2, dp, b2):

    def body(s0_ref, s1_ref, y_ref, d0_ref, d1_ref, b_ref, o_ref):
        o_ref[...] = (_dis(d0_ref, d1_ref)
                      * (s0_ref[0] + s1_ref[0] + y_ref[...]) + b_ref[...])

    return pl.pallas_call(
        body,
        grid=(_G,),
        in_specs=[_part_spec(0), _part_spec(1), _rows_spec(),
                  _deg_spec(0), _deg_spec(1),
                  pl.BlockSpec((1, D), lambda i: (0, 0))],
        out_specs=_rows_spec(),
        out_shape=jax.ShapeDtypeStruct((N, D), jnp.float32),
    )(sp, sp, y2, dp, dp, b2)


def kernel(x, edge_index, W1, b1, W2, b2):
    ei = edge_index.astype(jnp.int32)
    src2 = ei[0].reshape(NW, NB, IB, B)
    dst2 = ei[1].reshape(NW, NB, IB, B)
    dstd = ei[1].reshape(NW, RPT, B)

    dp = _deg_kernel(dstd).reshape(NC, NP, 1)

    y1 = _matmul_scale(x, W1, dp)
    sp1 = _edge_kernel(y1, src2, dst2)
    y2 = _mid_layer(sp1, y1, dp, b1.reshape(1, D), W2)
    sp2 = _edge_kernel(y2, src2, dst2)
    return _final_layer(sp2, y2, dp, b2.reshape(1, D))

# --- scband reference (transcript-rebuilt; emitter-appended) ---
"""Pipeline reference for scband-gcn-15925738733667 (READ-ONLY COPY).

The authoritative reference and input builder live on the scoring server;
editing this copy changes nothing except your own understanding.
"""

import jax, jax.numpy as jnp
import numpy as np

N_NODES = 10000
N_EDGES = 320000
D_IN = 128
D_HID = 128
D_OUT = 128


def gcn_conv(x, edge_index, W, b, n_nodes):
    # PyG-style GCNConv: add self-loops, symmetric normalization, linear, aggregate, bias
    src = edge_index[0]
    dst = edge_index[1]
    loop = jnp.arange(n_nodes, dtype=src.dtype)
    src = jnp.concatenate([src, loop])
    dst = jnp.concatenate([dst, loop])
    # linear transform first (out_dim may be smaller)
    xw = x @ W
    # degree (with self-loops) computed on dst
    deg = jnp.zeros((n_nodes,), dtype=x.dtype).at[dst].add(1.0)
    deg_inv_sqrt = jnp.where(deg > 0, jax.lax.rsqrt(deg), 0.0)
    norm = deg_inv_sqrt[src] * deg_inv_sqrt[dst]
    msgs = jnp.take(xw, src, axis=0) * norm[:, None]
    out = jax.ops.segment_sum(msgs, dst, num_segments=n_nodes)
    return out + b


def setup_inputs(seed: int = 0) -> dict:
    key = jax.random.key(seed)
    k1, k2, k3, k4 = jax.random.split(key, 4)
    x = jax.random.normal(k1, (N_NODES, D_IN), dtype=jnp.float32)
    edge_index = jax.random.randint(k2, (2, N_EDGES), 0, N_NODES)
    W1 = jax.random.normal(k3, (D_IN, D_HID), dtype=jnp.float32) * 0.05
    b1 = jnp.zeros((D_HID,), dtype=jnp.float32)
    W2 = jax.random.normal(k4, (D_HID, D_OUT), dtype=jnp.float32) * 0.05
    b2 = jnp.zeros((D_OUT,), dtype=jnp.float32)
    return {"x": x, "edge_index": edge_index, "W1": W1, "b1": b1, "W2": W2, "b2": b2}


def reference(x, edge_index, W1, b1, W2, b2):
    # layer 1 + relu (dropout is identity in eval mode)
    h = gcn_conv(x, edge_index, W1, b1, N_NODES)
    h = jax.nn.relu(h)
    # layer 2 (last layer, no activation)
    out = gcn_conv(h, edge_index, W2, b2, N_NODES)
    return out

if __name__ == "__main__":
    import jax
    _d = setup_inputs()
    print(jax.jit(kernel)(*tuple(_d.values())))

</pallas_src>

<mosaic_0001>
#map = affine_map<(d0, d1) -> (0, 0, 0)>
#map1 = affine_map<(d0, d1) -> (0, 0)>
module attributes {stable_mosaic.version = 14 : i64} {
  func.func @_deg_kernel(%arg0: i32, %arg1: i32, %arg2: memref<32x100x100xi32, #tpu.memory_space<hbm>>, %arg3: memref<2x10240xf32, #tpu.memory_space<hbm>>, %arg4: memref<100x100xi32, #tpu.memory_space<vmem>>, %arg5: memref<112xf32, #tpu.memory_space<vmem>>, %arg6: memref<640xf32, #tpu.memory_space<vmem>>, %arg7: memref<10240xf32, #tpu.memory_space<vmem_shared>>, %arg8: memref<!tpu.dma_semaphore, #tpu.memory_space<semaphore_mem>>) attributes {dimension_semantics = [#tpu.dimension_semantics<core_parallel>, #tpu.dimension_semantics<subcore_parallel>], iteration_bounds = array<i64: 2, 16>, scalar_prefetch = 0 : i64, scratch_operands = 5 : i64, tpu.core_type = #tpu.core_type<sc_vector_subcore>, window_params = [{transform_indices = #map}, {transform_indices = #map1}]} {
    %mul3A = arith.constant 2 : i32
    %mul3A_0 = arith.muli %arg1, %mul3A : i32
    %add3A = arith.addi %mul3A_0, %arg0 : i32
    %scan3A = arith.constant 0 : i32
    %scan3A_1 = arith.constant 0 : i32
    %scan3A_2 = arith.constant 7 : i32
    %scan3A_3 = arith.addi %scan3A_1, %scan3A_2 : i32
    %scan3A_4 = arith.constant 1 : i32
    %scan3A_5 = scf.for %scan3A_51 = %scan3A_1 to %scan3A_3 step %scan3A_4 iter_args(%scan3A_52 = %scan3A) -> (i32)  : i32 {
      %broadcast_in_dim3A = arith.constant 1.000000e+00 : f32
      %broadcast_in_dim3A_53 = vector.broadcast %broadcast_in_dim3A : f32 to vector<16xf32>
      %mul3A_54 = arith.constant 16 : i32
      %mul3A_55 = arith.muli %scan3A_51, %mul3A_54 : i32
      %swap3A = arith.index_cast %mul3A_55 : i32 to index
      %swap3A_56 = tpu.vector_load %arg5[%swap3A] {strides = array<i32>} : memref<112xf32, #tpu.memory_space<vmem>>, vector<16xf32>,
      %swap3A_57 = vector.shape_cast %swap3A_56 : vector<16xf32> to vector<16xf32>
      %swap3A_58 = vector.shape_cast %broadcast_in_dim3A_53 : vector<16xf32> to vector<16xf32>
      tpu.vector_store %arg5[%swap3A], %swap3A_58 {strides = array<i32>} : memref<112xf32, #tpu.memory_space<vmem>>, vector<16xf32>,
      %scan3A_59 = arith.constant 0 : i32
      scf.yield %scan3A_59 : i32
    }
    %scan3A_6 = arith.constant 7 : i32
    %scan3A_7 = arith.constant 0 : i32
    %scan3A_8 = arith.constant 0 : i32
    %scan3A_9 = arith.constant 40 : i32
    %scan3A_10 = arith.addi %scan3A_8, %scan3A_9 : i32
    %scan3A_11 = arith.constant 1 : i32
    %scan3A_12 = scf.for %scan3A_51 = %scan3A_8 to %scan3A_10 step %scan3A_11 iter_args(%scan3A_52 = %scan3A_7) -> (i32)  : i32 {
      %broadcast_in_dim3A = arith.constant 0.000000e+00 : f32
      %broadcast_in_dim3A_53 = vector.broadcast %broadcast_in_dim3A : f32 to vector<16xf32>
      %mul3A_54 = arith.constant 16 : i32
      %mul3A_55 = arith.muli %scan3A_51, %mul3A_54 : i32
      %swap3A = arith.index_cast %mul3A_55 : i32 to index
      %swap3A_56 = tpu.vector_load %arg6[%swap3A] {strides = array<i32>} : memref<640xf32, #tpu.memory_space<vmem>>, vector<16xf32>,
      %swap3A_57 = vector.shape_cast %swap3A_56 : vector<16xf32> to vector<16xf32>
      %swap3A_58 = vector.shape_cast %broadcast_in_dim3A_53 : vector<16xf32> to vector<16xf32>
      tpu.vector_store %arg6[%swap3A], %swap3A_58 {strides = array<i32>} : memref<640xf32, #tpu.memory_space<vmem>>, vector<16xf32>,
      %scan3A_59 = arith.constant 0 : i32
      scf.yield %scan3A_59 : i32
    }
    %scan3A_13 = arith.constant 40 : i32
    %mul3A_14 = arith.constant 640 : i32
    %mul3A_15 = arith.muli %arg1, %mul3A_14 : i32
    "tpu.region"() ({
      %run_scoped3A = tpu.sem_alloc : memref<!tpu.dma_semaphore, #tpu.memory_space<semaphore_mem>>
      %dma_start3A = tpu.memref_slice %arg7[%mul3A_15] : memref<10240xf32, #tpu.memory_space<vmem_shared>> -> memref<640xf32, #tpu.memory_space<vmem_shared>>
      %dma_start3A_51 = tpu.memref_slice %arg7[%mul3A_15] : memref<10240xf32, #tpu.memory_space<vmem_shared>> -> memref<640xf32, #tpu.memory_space<vmem_shared>>
      tpu.enqueue_dma source(%arg6 : memref<640xf32, #tpu.memory_space<vmem>>) target(%dma_start3A_51 : memref<640xf32, #tpu.memory_space<vmem_shared>>) target_semaphore(%run_scoped3A : memref<!tpu.dma_semaphore, #tpu.memory_space<semaphore_mem>>)
      %dma_wait3A_52 = tpu.memref_slice %arg7[%mul3A_15] : memref<10240xf32, #tpu.memory_space<vmem_shared>> -> memref<640xf32, #tpu.memory_space<vmem_shared>>
      %dma_wait3A_53 = tpu.memref_slice %arg7[%mul3A_15] : memref<10240xf32, #tpu.memory_space<vmem_shared>> -> memref<640xf32, #tpu.memory_space<vmem_shared>>
      tpu.wait_dma2 semaphore(%run_scoped3A : memref<!tpu.dma_semaphore, #tpu.memory_space<semaphore_mem>>) src(%arg6 : memref<640xf32, #tpu.memory_space<vmem>>) dst(%dma_wait3A_53 : memref<640xf32, #tpu.memory_space<vmem_shared>>)
      tpu.yield
    }) : () -> ()
    "tpu.region"() ({
      %run_scoped3A = tpu.sem_alloc : memref<!tpu.dma_semaphore, #tpu.memory_space<semaphore_mem>>
      %dma_start3A = arith.constant 0 : i32
      %dma_start3A_51 = arith.constant 0 : i32
      %dma_start3A_52 = tpu.memref_slice %arg2[%add3A, %dma_start3A, %dma_start3A_51] : memref<32x100x100xi32, #tpu.memory_space<hbm>> -> memref<1x100x100xi32, #tpu.memory_space<hbm>>
      %dma_start3A_53 = tpu.memref_squeeze %dma_start3A_52 : memref<1x100x100xi32, #tpu.memory_space<hbm>> -> memref<100x100xi32, #tpu.memory_space<hbm>>
      %dma_start3A_54 = arith.constant 0 : i32
      %dma_start3A_55 = arith.constant 0 : i32
      %dma_start3A_56 = tpu.memref_slice %arg2[%add3A, %dma_start3A_54, %dma_start3A_55] : memref<32x100x100xi32, #tpu.memory_space<hbm>> -> memref<1x100x100xi32, #tpu.memory_space<hbm>>
      %dma_start3A_57 = tpu.memref_squeeze %dma_start3A_56 : memref<1x100x100xi32, #tpu.memory_space<hbm>> -> memref<100x100xi32, #tpu.memory_space<hbm>>
      tpu.enqueue_dma source(%dma_start3A_57 : memref<100x100xi32, #tpu.memory_space<hbm>>) target(%arg4 : memref<100x100xi32, #tpu.memory_space<vmem>>) target_semaphore(%run_scoped3A : memref<!tpu.dma_semaphore, #tpu.memory_space<semaphore_mem>>)
      %dma_wait3A_58 = arith.constant 0 : i32
      %dma_wait3A_59 = arith.constant 0 : i32
      %dma_wait3A_60 = tpu.memref_slice %arg2[%add3A, %dma_wait3A_58, %dma_wait3A_59] : memref<32x100x100xi32, #tpu.memory_space<hbm>> -> memref<1x100x100xi32, #tpu.memory_space<hbm>>
      %dma_wait3A_61 = tpu.memref_squeeze %dma_wait3A_60 : memref<1x100x100xi32, #tpu.memory_space<hbm>> -> memref<100x100xi32, #tpu.memory_space<hbm>>
      %dma_wait3A_62 = arith.constant 0 : i32
      %dma_wait3A_63 = arith.constant 0 : i32
      %dma_wait3A_64 = tpu.memref_slice %arg2[%add3A, %dma_wait3A_62, %dma_wait3A_63] : memref<32x100x100xi32, #tpu.memory_space<hbm>> -> memref<1x100x100xi32, #tpu.memory_space<hbm>>
      %dma_wait3A_65 = tpu.memref_squeeze %dma_wait3A_64 : memref<1x100x100xi32, #tpu.memory_space<hbm>> -> memref<100x100xi32, #tpu.memory_space<hbm>>
      tpu.wait_dma2 semaphore(%run_scoped3A : memref<!tpu.dma_semaphore, #tpu.memory_space<semaphore_mem>>) src(%dma_wait3A_65 : memref<100x100xi32, #tpu.memory_space<hbm>>) dst(%arg4 : memref<100x100xi32, #tpu.memory_space<vmem>>)
      tpu.yield
    }) : () -> ()
    %barrier3A = arith.constant 0 : index
    tpu.barrier barrier_id(%barrier3A)
    %scan3A_16 = arith.constant 0 : i32
    %scan3A_17 = arith.constant 0 : i32
    %scan3A_18 = arith.constant 100 : i32
    %scan3A_19 = arith.addi %scan3A_17, %scan3A_18 : i32
    %scan3A_20 = arith.constant 1 : i32
    %scan3A_21 = scf.for %scan3A_51 = %scan3A_17 to %scan3A_19 step %scan3A_20 iter_args(%scan3A_52 = %scan3A_16) -> (i32)  : i32 {
      %dma_start3A = arith.constant 0 : i32
      %dma_start3A_53 = tpu.memref_slice %arg5[%dma_start3A] : memref<112xf32, #tpu.memory_space<vmem>> -> memref<100xf32, #tpu.memory_space<vmem>>
      %dma_start3A_54 = arith.constant 0 : i32
      %dma_start3A_55 = tpu.memref_slice %arg4[%scan3A_51, %dma_start3A_54] : memref<100x100xi32, #tpu.memory_space<vmem>> -> memref<1x100xi32, #tpu.memory_space<vmem>>
      %dma_start3A_56 = tpu.memref_squeeze %dma_start3A_55 : memref<1x100xi32, #tpu.memory_space<vmem>> -> memref<100xi32, #tpu.memory_space<vmem>>
      %dma_start3A_57 = arith.constant 0 : i32
      %dma_start3A_58 = tpu.memref_slice %arg7[%dma_start3A_57] : memref<10240xf32, #tpu.memory_space<vmem_shared>> -> memref<10240xf32, #tpu.memory_space<vmem_shared>>
      tpu.enqueue_indirect_dma source(%dma_start3A_53 : memref<100xf32, #tpu.memory_space<vmem>>) target(%dma_start3A_58 : memref<10240xf32, #tpu.memory_space<vmem_shared>>) offsets(%dma_start3A_56 : memref<100xi32, #tpu.memory_space<vmem>>) semaphore(%arg8 : memref<!tpu.dma_semaphore, #tpu.memory_space<semaphore_mem>>) {add = true}
      %ge3A = arith.constant 3 : i32
      %ge3A_59 = arith.cmpi sge, %scan3A_51, %ge3A : i32
      %convert_element_type3A = arith.extui %ge3A_59 : i1 to i32
      %cond3A = arith.constant 0 : i32
      %cond3A_60 = arith.cmpi ne, %convert_element_type3A, %cond3A : i32
      scf.if %cond3A_60 {
        %sub3A = arith.constant 3 : i32
        %sub3A_62 = arith.subi %scan3A_51, %sub3A : i32
        %dma_wait3A_63 = arith.constant 0 : i32
        %dma_wait3A_64 = tpu.memref_slice %arg5[%dma_wait3A_63] : memref<112xf32, #tpu.memory_space<vmem>> -> memref<100xf32, #tpu.memory_space<vmem>>
        %dma_wait3A_65 = arith.constant 0 : i32
        %dma_wait3A_66 = tpu.memref_slice %arg4[%sub3A_62, %dma_wait3A_65] : memref<100x100xi32, #tpu.memory_space<vmem>> -> memref<1x100xi32, #tpu.memory_space<vmem>>
        %dma_wait3A_67 = tpu.memref_squeeze %dma_wait3A_66 : memref<1x100xi32, #tpu.memory_space<vmem>> -> memref<100xi32, #tpu.memory_space<vmem>>
        %dma_wait3A_68 = arith.constant 0 : i32
        %dma_wait3A_69 = tpu.memref_slice %arg7[%dma_wait3A_68] : memref<10240xf32, #tpu.memory_space<vmem_shared>> -> memref<10240xf32, #tpu.memory_space<vmem_shared>>
        tpu.wait_indirect_dma semaphore(%arg8 : memref<!tpu.dma_semaphore, #tpu.memory_space<semaphore_mem>>) src(%dma_wait3A_64 : memref<100xf32, #tpu.memory_space<vmem>>) dst(%dma_wait3A_69 : memref<10240xf32, #tpu.memory_space<vmem_shared>>)
      } else {
      }
      %scan3A_61 = arith.constant 0 : i32
      scf.yield %scan3A_61 : i32
    }
    %scan3A_22 = arith.constant 100 : i32
    %dma_wait3A = arith.constant 97 : i32
    %dma_wait3A_23 = arith.constant 0 : i32
    %dma_wait3A_24 = tpu.memref_slice %arg5[%dma_wait3A_23] : memref<112xf32, #tpu.memory_space<vmem>> -> memref<100xf32, #tpu.memory_space<vmem>>
    %dma_wait3A_25 = arith.constant 0 : i32
    %dma_wait3A_26 = tpu.memref_slice %arg4[%dma_wait3A, %dma_wait3A_25] : memref<100x100xi32, #tpu.memory_space<vmem>> -> memref<1x100xi32, #tpu.memory_space<vmem>>
    %dma_wait3A_27 = tpu.memref_squeeze %dma_wait3A_26 : memref<1x100xi32, #tpu.memory_space<vmem>> -> memref<100xi32, #tpu.memory_space<vmem>>
    %dma_wait3A_28 = arith.constant 0 : i32
    %dma_wait3A_29 = tpu.memref_slice %arg7[%dma_wait3A_28] : memref<10240xf32, #tpu.memory_space<vmem_shared>> -> memref<10240xf32, #tpu.memory_space<vmem_shared>>
    tpu.wait_indirect_dma semaphore(%arg8 : memref<!tpu.dma_semaphore, #tpu.memory_space<semaphore_mem>>) src(%dma_wait3A_24 : memref<100xf32, #tpu.memory_space<vmem>>) dst(%dma_wait3A_29 : memref<10240xf32, #tpu.memory_space<vmem_shared>>)
    %dma_wait3A_30 = arith.constant 98 : i32
    %dma_wait3A_31 = arith.constant 0 : i32
    %dma_wait3A_32 = tpu.memref_slice %arg5[%dma_wait3A_31] : memref<112xf32, #tpu.memory_space<vmem>> -> memref<100xf32, #tpu.memory_space<vmem>>
    %dma_wait3A_33 = arith.constant 0 : i32
    %dma_wait3A_34 = tpu.memref_slice %arg4[%dma_wait3A_30, %dma_wait3A_33] : memref<100x100xi32, #tpu.memory_space<vmem>> -> memref<1x100xi32, #tpu.memory_space<vmem>>
    %dma_wait3A_35 = tpu.memref_squeeze %dma_wait3A_34 : memref<1x100xi32, #tpu.memory_space<vmem>> -> memref<100xi32, #tpu.memory_space<vmem>>
    %dma_wait3A_36 = arith.constant 0 : i32
    %dma_wait3A_37 = tpu.memref_slice %arg7[%dma_wait3A_36] : memref<10240xf32, #tpu.memory_space<vmem_shared>> -> memref<10240xf32, #tpu.memory_space<vmem_shared>>
    tpu.wait_indirect_dma semaphore(%arg8 : memref<!tpu.dma_semaphore, #tpu.memory_space<semaphore_mem>>) src(%dma_wait3A_32 : memref<100xf32, #tpu.memory_space<vmem>>) dst(%dma_wait3A_37 : memref<10240xf32, #tpu.memory_space<vmem_shared>>)
    %dma_wait3A_38 = arith.constant 99 : i32
    %dma_wait3A_39 = arith.constant 0 : i32
    %dma_wait3A_40 = tpu.memref_slice %arg5[%dma_wait3A_39] : memref<112xf32, #tpu.memory_space<vmem>> -> memref<100xf32, #tpu.memory_space<vmem>>
    %dma_wait3A_41 = arith.constant 0 : i32
    %dma_wait3A_42 = tpu.memref_slice %arg4[%dma_wait3A_38, %dma_wait3A_41] : memref<100x100xi32, #tpu.memory_space<vmem>> -> memref<1x100xi32, #tpu.memory_space<vmem>>
    %dma_wait3A_43 = tpu.memref_squeeze %dma_wait3A_42 : memref<1x100xi32, #tpu.memory_space<vmem>> -> memref<100xi32, #tpu.memory_space<vmem>>
    %dma_wait3A_44 = arith.constant 0 : i32
    %dma_wait3A_45 = tpu.memref_slice %arg7[%dma_wait3A_44] : memref<10240xf32, #tpu.memory_space<vmem_shared>> -> memref<10240xf32, #tpu.memory_space<vmem_shared>>
    tpu.wait_indirect_dma semaphore(%arg8 : memref<!tpu.dma_semaphore, #tpu.memory_space<semaphore_mem>>) src(%dma_wait3A_40 : memref<100xf32, #tpu.memory_space<vmem>>) dst(%dma_wait3A_45 : memref<10240xf32, #tpu.memory_space<vmem_shared>>)
    %barrier3A_46 = arith.constant 0 : index
    tpu.barrier barrier_id(%barrier3A_46)
    %mul3A_47 = arith.constant 640 : i32
    %mul3A_48 = arith.muli %arg1, %mul3A_47 : i32
    %mul3A_49 = arith.constant 640 : i32
    %mul3A_50 = arith.muli %arg1, %mul3A_49 : i32
    "tpu.region"() ({
      %run_scoped3A = tpu.sem_alloc : memref<!tpu.dma_semaphore, #tpu.memory_space<semaphore_mem>>
      %dma_start3A = tpu.memref_slice %arg3[%arg0, %mul3A_50] : memref<2x10240xf32, #tpu.memory_space<hbm>> -> memref<1x640xf32, #tpu.memory_space<hbm>>
      %dma_start3A_51 = tpu.memref_squeeze %dma_start3A : memref<1x640xf32, #tpu.memory_space<hbm>> -> memref<640xf32, #tpu.memory_space<hbm>>
      %dma_start3A_52 = tpu.memref_slice %arg7[%mul3A_48] : memref<10240xf32, #tpu.memory_space<vmem_shared>> -> memref<640xf32, #tpu.memory_space<vmem_shared>>
      tpu.enqueue_dma source(%dma_start3A_52 : memref<640xf32, #tpu.memory_space<vmem_shared>>) target(%dma_start3A_51 : memref<640xf32, #tpu.memory_space<hbm>>) target_semaphore(%run_scoped3A : memref<!tpu.dma_semaphore, #tpu.memory_space<semaphore_mem>>)
      %dma_wait3A_53 = tpu.memref_slice %arg3[%arg0, %mul3A_50] : memref<2x10240xf32, #tpu.memory_space<hbm>> -> memref<1x640xf32, #tpu.memory_space<hbm>>
      %dma_wait3A_54 = tpu.memref_squeeze %dma_wait3A_53 : memref<1x640xf32, #tpu.memory_space<hbm>> -> memref<640xf32, #tpu.memory_space<hbm>>
      %dma_wait3A_55 = tpu.memref_slice %arg7[%mul3A_48] : memref<10240xf32, #tpu.memory_space<vmem_shared>> -> memref<640xf32, #tpu.memory_space<vmem_shared>>
      tpu.wait_dma2 semaphore(%run_scoped3A : memref<!tpu.dma_semaphore, #tpu.memory_space<semaphore_mem>>) src(%dma_wait3A_55 : memref<640xf32, #tpu.memory_space<vmem_shared>>) dst(%dma_wait3A_54 : memref<640xf32, #tpu.memory_space<hbm>>)
      tpu.yield
    }) : () -> ()
    return
  }
}

#map = affine_map<(d0, d1) -> (0, 0)>
#map1 = affine_map<(d0, d1) -> (0, 0, 0, 0)>
#map2 = affine_map<(d0, d1) -> (0, 0, 0)>
module attributes {stable_mosaic.version = 14 : i64} {
  func.func @_edge_kernel(%arg0: i32, %arg1: i32, %arg2: memref<10000x128xf32, #tpu.memory_space<hbm>>, %arg3: memref<32x4x25x100xi32, #tpu.memory_space<hbm>>, %arg4: memref<32x4x25x100xi32, #tpu.memory_space<hbm>>, %arg5: memref<2x10240x128xf32, #tpu.memory_space<hbm>>, %arg6: memref<25x100xi32, #tpu.memory_space<vmem>>, %arg7: memref<25x100xi32, #tpu.memory_space<vmem>>, %arg8: memref<3x100x128xf32, #tpu.memory_space<vmem>>, %arg9: memref<10240x128xf32, #tpu.memory_space<vmem_shared>>, %arg10: memref<!tpu.dma_semaphore, #tpu.memory_space<semaphore_mem>>, %arg11: memref<!tpu.dma_semaphore, #tpu.memory_space<semaphore_mem>>) attributes {dimension_semantics = [#tpu.dimension_semantics<core_parallel>, #tpu.dimension_semantics<subcore_parallel>], iteration_bounds = array<i64: 2, 16>, scalar_prefetch = 0 : i64, scratch_operands = 6 : i64, tpu.core_type = #tpu.core_type<sc_vector_subcore>, window_params = [{transform_indices = #map}, {transform_indices = #map1}, {transform_indices = #map1}, {transform_indices = #map2}]} {
    %mul3A = arith.constant 2 : i32
    %mul3A_0 = arith.muli %arg1, %mul3A : i32
    %add3A = arith.addi %mul3A_0, %arg0 : i32
    %scan3A = arith.constant 0 : i32
    %scan3A_1 = arith.constant 0 : i32
    %scan3A_2 = arith.constant 100 : i32
    %scan3A_3 = arith.addi %scan3A_1, %scan3A_2 : i32
    %scan3A_4 = arith.constant 1 : i32
    %scan3A_5 = scf.for %scan3A_58 = %scan3A_1 to %scan3A_3 step %scan3A_4 iter_args(%scan3A_59 = %scan3A) -> (i32)  : i32 {
      %scan3A_60 = arith.constant 0 : i32
      %scan3A_61 = arith.constant 0 : i32
      %scan3A_62 = arith.constant 8 : i32
      %scan3A_63 = arith.addi %scan3A_61, %scan3A_62 : i32
      %scan3A_64 = arith.constant 1 : i32
      %scan3A_65 = scf.for %scan3A_68 = %scan3A_61 to %scan3A_63 step %scan3A_64 iter_args(%scan3A_69 = %scan3A_60) -> (i32)  : i32 {
        %broadcast_in_dim3A = arith.constant 0.000000e+00 : f32
        %broadcast_in_dim3A_70 = vector.broadcast %broadcast_in_dim3A : f32 to vector<16xf32>
        %mul3A_71 = arith.constant 16 : i32
        %mul3A_72 = arith.muli %scan3A_68, %mul3A_71 : i32
        %swap3A = arith.constant 0 : i32
        %swap3A_73 = arith.index_cast %swap3A : i32 to index
        %swap3A_74 = arith.index_cast %scan3A_58 : i32 to index
        %swap3A_75 = arith.index_cast %mul3A_72 : i32 to index
        %swap3A_76 = tpu.vector_load %arg8[%swap3A_73, %swap3A_74, %swap3A_75] {strides = array<i32>} : memref<3x100x128xf32, #tpu.memory_space<vmem>>, vector<1x1x16xf32>,
        %swap3A_77 = vector.shape_cast %swap3A_76 : vector<1x1x16xf32> to vector<16xf32>
        %swap3A_78 = vector.shape_cast %broadcast_in_dim3A_70 : vector<16xf32> to vector<1x1x16xf32>
        tpu.vector_store %arg8[%swap3A_73, %swap3A_74, %swap3A_75], %swap3A_78 {strides = array<i32>} : memref<3x100x128xf32, #tpu.memory_space<vmem>>, vector<1x1x16xf32>,
        %scan3A_79 = arith.constant 0 : i32
        scf.yield %scan3A_79 : i32
      }
      %scan3A_66 = arith.constant 8 : i32
      %scan3A_67 = arith.constant 0 : i32
      scf.yield %scan3A_67 : i32
    }
    %scan3A_6 = arith.constant 100 : i32
    %mul3A_7 = arith.constant 640 : i32
    %mul3A_8 = arith.muli %arg1, %mul3A_7 : i32
    %add3A_9 = arith.constant 0 : i32
    %add3A_10 = arith.addi %mul3A_8, %add3A_9 : i32
    %run_scoped3A = arith.constant 0 : i32
    "tpu.region"() ({
      %run_scoped3A_58 = tpu.sem_alloc : memref<!tpu.dma_semaphore, #tpu.memory_space<semaphore_mem>>
      %dma_start3A = arith.constant 0 : i32
      %dma_start3A_59 = arith.constant 0 : i32
      %dma_start3A_60 = tpu.memref_slice %arg8[%run_scoped3A, %dma_start3A, %dma_start3A_59] : memref<3x100x128xf32, #tpu.memory_space<vmem>> -> memref<1x80x128xf32, #tpu.memory_space<vmem>>
      %dma_start3A_61 = tpu.memref_squeeze %dma_start3A_60 : memref<1x80x128xf32, #tpu.memory_space<vmem>> -> memref<80x128xf32, #tpu.memory_space<vmem>>
      %dma_start3A_62 = arith.constant 0 : i32
      %dma_start3A_63 = tpu.memref_slice %arg9[%add3A_10, %dma_start3A_62] : memref<10240x128xf32, #tpu.memory_space<vmem_shared>> -> memref<80x128xf32, #tpu.memory_space<vmem_shared>>
      %dma_start3A_64 = arith.constant 0 : i32
      %dma_start3A_65 = tpu.memref_slice %arg9[%add3A_10, %dma_start3A_64] : memref<10240x128xf32, #tpu.memory_space<vmem_shared>> -> memref<80x128xf32, #tpu.memory_space<vmem_shared>>
      %dma_start3A_66 = arith.constant 0 : i32
      %dma_start3A_67 = arith.constant 0 : i32
      %dma_start3A_68 = tpu.memref_slice %arg8[%run_scoped3A, %dma_start3A_66, %dma_start3A_67] : memref<3x100x128xf32, #tpu.memory_space<vmem>> -> memref<1x80x128xf32, #tpu.memory_space<vmem>>
      %dma_start3A_69 = tpu.memref_squeeze %dma_start3A_68 : memref<1x80x128xf32, #tpu.memory_space<vmem>> -> memref<80x128xf32, #tpu.memory_space<vmem>>
      tpu.enqueue_dma source(%dma_start3A_69 : memref<80x128xf32, #tpu.memory_space<vmem>>) target(%dma_start3A_65 : memref<80x128xf32, #tpu.memory_space<vmem_shared>>) target_semaphore(%run_scoped3A_58 : memref<!tpu.dma_semaphore, #tpu.memory_space<semaphore_mem>>)
      %dma_wait3A = arith.constant 0 : i32
      %dma_wait3A_70 = arith.constant 0 : i32
      %dma_wait3A_71 = tpu.memref_slice %arg8[%run_scoped3A, %dma_wait3A, %dma_wait3A_70] : memref<3x100x128xf32, #tpu.memory_space<vmem>> -> memref<1x80x128xf32, #tpu.memory_space<vmem>>
      %dma_wait3A_72 = tpu.memref_squeeze %dma_wait3A_71 : memref<1x80x128xf32, #tpu.memory_space<vmem>> -> memref<80x128xf32, #tpu.memory_space<vmem>>
      %dma_wait3A_73 = arith.constant 0 : i32
      %dma_wait3A_74 = tpu.memref_slice %arg9[%add3A_10, %dma_wait3A_73] : memref<10240x128xf32, #tpu.memory_space<vmem_shared>> -> memref<80x128xf32, #tpu.memory_space<vmem_shared>>
      %dma_wait3A_75 = arith.constant 0 : i32
      %dma_wait3A_76 = tpu.memref_slice %arg9[%add3A_10, %dma_wait3A_75] : memref<10240x128xf32, #tpu.memory_space<vmem_shared>> -> memref<80x128xf32, #tpu.memory_space<vmem_shared>>
      %dma_wait3A_77 = arith.constant 0 : i32
      %dma_wait3A_78 = arith.constant 0 : i32
      %dma_wait3A_79 = tpu.memref_slice %arg8[%run_scoped3A, %dma_wait3A_77, %dma_wait3A_78] : memref<3x100x128xf32, #tpu.memory_space<vmem>> -> memref<1x80x128xf32, #tpu.memory_space<vmem>>
      %dma_wait3A_80 = tpu.memref_squeeze %dma_wait3A_79 : memref<1x80x128xf32, #tpu.memory_space<vmem>> -> memref<80x128xf32, #tpu.memory_space<vmem>>
      tpu.wait_dma2 semaphore(%run_scoped3A_58 : memref<!tpu.dma_semaphore, #tpu.memory_space<semaphore_mem>>) src(%dma_wait3A_80 : memref<80x128xf32, #tpu.memory_space<vmem>>) dst(%dma_wait3A_76 : memref<80x128xf32, #tpu.memory_space<vmem_shared>>)
      tpu.yield
    }) : () -> ()
    %mul3A_11 = arith.constant 640 : i32
    %mul3A_12 = arith.muli %arg1, %mul3A_11 : i32
    %add3A_13 = arith.constant 80 : i32
    %add3A_14 = arith.addi %mul3A_12, %add3A_13 : i32
    %run_scoped3A_15 = arith.constant 0 : i32
    "tpu.region"() ({
      %run_scoped3A_58 = tpu.sem_alloc : memref<!tpu.dma_semaphore, #tpu.memory_space<semaphore_mem>>
      %dma_start3A = arith.constant 0 : i32
      %dma_start3A_59 = arith.constant 0 : i32
      %dma_start3A_60 = tpu.memref_slice %arg8[%run_scoped3A_15, %dma_start3A, %dma_start3A_59] : memref<3x100x128xf32, #tpu.memory_space<vmem>> -> memref<1x80x128xf32, #tpu.memory_space<vmem>>
      %dma_start3A_61 = tpu.memref_squeeze %dma_start3A_60 : memref<1x80x128xf32, #tpu.memory_space<vmem>> -> memref<80x128xf32, #tpu.memory_space<vmem>>
      %dma_start3A_62 = arith.constant 0 : i32
      %dma_start3A_63 = tpu.memref_slice %arg9[%add3A_14, %dma_start3A_62] : memref<10240x128xf32, #tpu.memory_space<vmem_shared>> -> memref<80x128xf32, #tpu.memory_space<vmem_shared>>
      %dma_start3A_64 = arith.constant 0 : i32
      %dma_start3A_65 = tpu.memref_slice %arg9[%add3A_14, %dma_start3A_64] : memref<10240x128xf32, #tpu.memory_space<vmem_shared>> -> memref<80x128xf32, #tpu.memory_space<vmem_shared>>
      %dma_start3A_66 = arith.constant 0 : i32
      %dma_start3A_67 = arith.constant 0 : i32
      %dma_start3A_68 = tpu.memref_slice %arg8[%run_scoped3A_15, %dma_start3A_66, %dma_start3A_67] : memref<3x100x128xf32, #tpu.memory_space<vmem>> -> memref<1x80x128xf32, #tpu.memory_space<vmem>>
      %dma_start3A_69 = tpu.memref_squeeze %dma_start3A_68 : memref<1x80x128xf32, #tpu.memory_space<vmem>> -> memref<80x128xf32, #tpu.memory_space<vmem>>
      tpu.enqueue_dma source(%dma_start3A_69 : memref<80x128xf32, #tpu.memory_space<vmem>>) target(%dma_start3A_65 : memref<80x128xf32, #tpu.memory_space<vmem_shared>>) target_semaphore(%run_scoped3A_58 : memref<!tpu.dma_semaphore, #tpu.memory_space<semaphore_mem>>)
      %dma_wait3A = arith.constant 0 : i32
      %dma_wait3A_70 = arith.constant 0 : i32
      %dma_wait3A_71 = tpu.memref_slice %arg8[%run_scoped3A_15, %dma_wait3A, %dma_wait3A_70] : memref<3x100x128xf32, #tpu.memory_space<vmem>> -> memref<1x80x128xf32, #tpu.memory_space<vmem>>
      %dma_wait3A_72 = tpu.memref_squeeze %dma_wait3A_71 : memref<1x80x128xf32, #tpu.memory_space<vmem>> -> memref<80x128xf32, #tpu.memory_space<vmem>>
      %dma_wait3A_73 = arith.constant 0 : i32
      %dma_wait3A_74 = tpu.memref_slice %arg9[%add3A_14, %dma_wait3A_73] : memref<10240x128xf32, #tpu.memory_space<vmem_shared>> -> memref<80x128xf32, #tpu.memory_space<vmem_shared>>
      %dma_wait3A_75 = arith.constant 0 : i32
      %dma_wait3A_76 = tpu.memref_slice %arg9[%add3A_14, %dma_wait3A_75] : memref<10240x128xf32, #tpu.memory_space<vmem_shared>> -> memref<80x128xf32, #tpu.memory_space<vmem_shared>>
      %dma_wait3A_77 = arith.constant 0 : i32
      %dma_wait3A_78 = arith.constant 0 : i32
      %dma_wait3A_79 = tpu.memref_slice %arg8[%run_scoped3A_15, %dma_wait3A_77, %dma_wait3A_78] : memref<3x100x128xf32, #tpu.memory_space<vmem>> -> memref<1x80x128xf32, #tpu.memory_space<vmem>>
      %dma_wait3A_80 = tpu.memref_squeeze %dma_wait3A_79 : memref<1x80x128xf32, #tpu.memory_space<vmem>> -> memref<80x128xf32, #tpu.memory_space<vmem>>
      tpu.wait_dma2 semaphore(%run_scoped3A_58 : memref<!tpu.dma_semaphore, #tpu.memory_space<semaphore_mem>>) src(%dma_wait3A_80 : memref<80x128xf32, #tpu.memory_space<vmem>>) dst(%dma_wait3A_76 : memref<80x128xf32, #tpu.memory_space<vmem_shared>>)
      tpu.yield
    }) : () -> ()
    %mul3A_16 = arith.constant 640 : i32
    %mul3A_17 = arith.muli %arg1, %mul3A_16 : i32
    %add3A_18 = arith.constant 160 : i32
    %add3A_19 = arith.addi %mul3A_17, %add3A_18 : i32
    %run_scoped3A_20 = arith.constant 0 : i32
    "tpu.region"() ({
      %run_scoped3A_58 = tpu.sem_alloc : memref<!tpu.dma_semaphore, #tpu.memory_space<semaphore_mem>>
      %dma_start3A = arith.constant 0 : i32
      %dma_start3A_59 = arith.constant 0 : i32
      %dma_start3A_60 = tpu.memref_slice %arg8[%run_scoped3A_20, %dma_start3A, %dma_start3A_59] : memref<3x100x128xf32, #tpu.memory_space<vmem>> -> memref<1x80x128xf32, #tpu.memory_space<vmem>>
      %dma_start3A_61 = tpu.memref_squeeze %dma_start3A_60 : memref<1x80x128xf32, #tpu.memory_space<vmem>> -> memref<80x128xf32, #tpu.memory_space<vmem>>
      %dma_start3A_62 = arith.constant 0 : i32
      %dma_start3A_63 = tpu.memref_slice %arg9[%add3A_19, %dma_start3A_62] : memref<10240x128xf32, #tpu.memory_space<vmem_shared>> -> memref<80x128xf32, #tpu.memory_space<vmem_shared>>
      %dma_start3A_64 = arith.constant 0 : i32
      %dma_start3A_65 = tpu.memref_slice %arg9[%add3A_19, %dma_start3A_64] : memref<10240x128xf32, #tpu.memory_space<vmem_shared>> -> memref<80x128xf32, #tpu.memory_space<vmem_shared>>
      %dma_start3A_66 = arith.constant 0 : i32
      %dma_start3A_67 = arith.constant 0 : i32
      %dma_start3A_68 = tpu.memref_slice %arg8[%run_scoped3A_20, %dma_start3A_66, %dma_start3A_67] : memref<3x100x128xf32, #tpu.memory_space<vmem>> -> memref<1x80x128xf32, #tpu.memory_space<vmem>>
      %dma_start3A_69 = tpu.memref_squeeze %dma_start3A_68 : memref<1x80x128xf32, #tpu.memory_space<vmem>> -> memref<80x128xf32, #tpu.memory_space<vmem>>
      tpu.enqueue_dma source(%dma_start3A_69 : memref<80x128xf32, #tpu.memory_space<vmem>>) target(%dma_start3A_65 : memref<80x128xf32, #tpu.memory_space<vmem_shared>>) target_semaphore(%run_scoped3A_58 : memref<!tpu.dma_semaphore, #tpu.memory_space<semaphore_mem>>)
      %dma_wait3A = arith.constant 0 : i32
      %dma_wait3A_70 = arith.constant 0 : i32
      %dma_wait3A_71 = tpu.memref_slice %arg8[%run_scoped3A_20, %dma_wait3A, %dma_wait3A_70] : memref<3x100x128xf32, #tpu.memory_space<vmem>> -> memref<1x80x128xf32, #tpu.memory_space<vmem>>
      %dma_wait3A_72 = tpu.memref_squeeze %dma_wait3A_71 : memref<1x80x128xf32, #tpu.memory_space<vmem>> -> memref<80x128xf32, #tpu.memory_space<vmem>>
      %dma_wait3A_73 = arith.constant 0 : i32
      %dma_wait3A_74 = tpu.memref_slice %arg9[%add3A_19, %dma_wait3A_73] : memref<10240x128xf32, #tpu.memory_space<vmem_shared>> -> memref<80x128xf32, #tpu.memory_space<vmem_shared>>
      %dma_wait3A_75 = arith.constant 0 : i32
      %dma_wait3A_76 = tpu.memref_slice %arg9[%add3A_19, %dma_wait3A_75] : memref<10240x128xf32, #tpu.memory_space<vmem_shared>> -> memref<80x128xf32, #tpu.memory_space<vmem_shared>>
      %dma_wait3A_77 = arith.constant 0 : i32
      %dma_wait3A_78 = arith.constant 0 : i32
      %dma_wait3A_79 = tpu.memref_slice %arg8[%run_scoped3A_20, %dma_wait3A_77, %dma_wait3A_78] : memref<3x100x128xf32, #tpu.memory_space<vmem>> -> memref<1x80x128xf32, #tpu.memory_space<vmem>>
      %dma_wait3A_80 = tpu.memref_squeeze %dma_wait3A_79 : memref<1x80x128xf32, #tpu.memory_space<vmem>> -> memref<80x128xf32, #tpu.memory_space<vmem>>
      tpu.wait_dma2 semaphore(%run_scoped3A_58 : memref<!tpu.dma_semaphore, #tpu.memory_space<semaphore_mem>>) src(%dma_wait3A_80 : memref<80x128xf32, #tpu.memory_space<vmem>>) dst(%dma_wait3A_76 : memref<80x128xf32, #tpu.memory_space<vmem_shared>>)
      tpu.yield
    }) : () -> ()
    %mul3A_21 = arith.constant 640 : i32
    %mul3A_22 = arith.muli %arg1, %mul3A_21 : i32
    %add3A_23 = arith.constant 240 : i32
    %add3A_24 = arith.addi %mul3A_22, %add3A_23 : i32
    %run_scoped3A_25 = arith.constant 0 : i32
    "tpu.region"() ({
      %run_scoped3A_58 = tpu.sem_alloc : memref<!tpu.dma_semaphore, #tpu.memory_space<semaphore_mem>>
      %dma_start3A = arith.constant 0 : i32
      %dma_start3A_59 = arith.constant 0 : i32
      %dma_start3A_60 = tpu.memref_slice %arg8[%run_scoped3A_25, %dma_start3A, %dma_start3A_59] : memref<3x100x128xf32, #tpu.memory_space<vmem>> -> memref<1x80x128xf32, #tpu.memory_space<vmem>>
      %dma_start3A_61 = tpu.memref_squeeze %dma_start3A_60 : memref<1x80x128xf32, #tpu.memory_space<vmem>> -> memref<80x128xf32, #tpu.memory_space<vmem>>
      %dma_start3A_62 = arith.constant 0 : i32
      %dma_start3A_63 = tpu.memref_slice %arg9[%add3A_24, %dma_start3A_62] : memref<10240x128xf32, #tpu.memory_space<vmem_shared>> -> memref<80x128xf32, #tpu.memory_space<vmem_shared>>
      %dma_start3A_64 = arith.constant 0 : i32
      %dma_start3A_65 = tpu.memref_slice %arg9[%add3A_24, %dma_start3A_64] : memref<10240x128xf32, #tpu.memory_space<vmem_shared>> -> memref<80x128xf32, #tpu.memory_space<vmem_shared>>
      %dma_start3A_66 = arith.constant 0 : i32
      %dma_start3A_67 = arith.constant 0 : i32
      %dma_start3A_68 = tpu.memref_slice %arg8[%run_scoped3A_25, %dma_start3A_66, %dma_start3A_67] : memref<3x100x128xf32, #tpu.memory_space<vmem>> -> memref<1x80x128xf32, #tpu.memory_space<vmem>>
      %dma_start3A_69 = tpu.memref_squeeze %dma_start3A_68 : memref<1x80x128xf32, #tpu.memory_space<vmem>> -> memref<80x128xf32, #tpu.memory_space<vmem>>
      tpu.enqueue_dma source(%dma_start3A_69 : memref<80x128xf32, #tpu.memory_space<vmem>>) target(%dma_start3A_65 : memref<80x128xf32, #tpu.memory_space<vmem_shared>>) target_semaphore(%run_scoped3A_58 : memref<!tpu.dma_semaphore, #tpu.memory_space<semaphore_mem>>)
      %dma_wait3A = arith.constant 0 : i32
      %dma_wait3A_70 = arith.constant 0 : i32
      %dma_wait3A_71 = tpu.memref_slice %arg8[%run_scoped3A_25, %dma_wait3A, %dma_wait3A_70] : memref<3x100x128xf32, #tpu.memory_space<vmem>> -> memref<1x80x128xf32, #tpu.memory_space<vmem>>
      %dma_wait3A_72 = tpu.memref_squeeze %dma_wait3A_71 : memref<1x80x128xf32, #tpu.memory_space<vmem>> -> memref<80x128xf32, #tpu.memory_space<vmem>>
      %dma_wait3A_73 = arith.constant 0 : i32
      %dma_wait3A_74 = tpu.memref_slice %arg9[%add3A_24, %dma_wait3A_73] : memref<10240x128xf32, #tpu.memory_space<vmem_shared>> -> memref<80x128xf32, #tpu.memory_space<vmem_shared>>
      %dma_wait3A_75 = arith.constant 0 : i32
      %dma_wait3A_76 = tpu.memref_slice %arg9[%add3A_24, %dma_wait3A_75] : memref<10240x128xf32, #tpu.memory_space<vmem_shared>> -> memref<80x128xf32, #tpu.memory_space<vmem_shared>>
      %dma_wait3A_77 = arith.constant 0 : i32
      %dma_wait3A_78 = arith.constant 0 : i32
      %dma_wait3A_79 = tpu.memref_slice %arg8[%run_scoped3A_25, %dma_wait3A_77, %dma_wait3A_78] : memref<3x100x128xf32, #tpu.memory_space<vmem>> -> memref<1x80x128xf32, #tpu.memory_space<vmem>>
      %dma_wait3A_80 = tpu.memref_squeeze %dma_wait3A_79 : memref<1x80x128xf32, #tpu.memory_space<vmem>> -> memref<80x128xf32, #tpu.memory_space<vmem>>
      tpu.wait_dma2 semaphore(%run_scoped3A_58 : memref<!tpu.dma_semaphore, #tpu.memory_space<semaphore_mem>>) src(%dma_wait3A_80 : memref<80x128xf32, #tpu.memory_space<vmem>>) dst(%dma_wait3A_76 : memref<80x128xf32, #tpu.memory_space<vmem_shared>>)
      tpu.yield
    }) : () -> ()
    %mul3A_26 = arith.constant 640 : i32
    %mul3A_27 = arith.muli %arg1, %mul3A_26 : i32
    %add3A_28 = arith.constant 320 : i32
    %add3A_29 = arith.addi %mul3A_27, %add3A_28 : i32
    %run_scoped3A_30 = arith.constant 0 : i32
    "tpu.region"() ({
      %run_scoped3A_58 = tpu.sem_alloc : memref<!tpu.dma_semaphore, #tpu.memory_space<semaphore_mem>>
      %dma_start3A = arith.constant 0 : i32
      %dma_start3A_59 = arith.constant 0 : i32
      %dma_start3A_60 = tpu.memref_slice %arg8[%run_scoped3A_30, %dma_start3A, %dma_start3A_59] : memref<3x100x128xf32, #tpu.memory_space<vmem>> -> memref<1x80x128xf32, #tpu.memory_space<vmem>>
      %dma_start3A_61 = tpu.memref_squeeze %dma_start3A_60 : memref<1x80x128xf32, #tpu.memory_space<vmem>> -> memref<80x128xf32, #tpu.memory_space<vmem>>
      %dma_start3A_62 = arith.constant 0 : i32
      %dma_start3A_63 = tpu.memref_slice %arg9[%add3A_29, %dma_start3A_62] : memref<10240x128xf32, #tpu.memory_space<vmem_shared>> -> memref<80x128xf32, #tpu.memory_space<vmem_shared>>
      %dma_start3A_64 = arith.constant 0 : i32
      %dma_start3A_65 = tpu.memref_slice %arg9[%add3A_29, %dma_start3A_64] : memref<10240x128xf32, #tpu.memory_space<vmem_shared>> -> memref<80x128xf32, #tpu.memory_space<vmem_shared>>
      %dma_start3A_66 = arith.constant 0 : i32
      %dma_start3A_67 = arith.constant 0 : i32
      %dma_start3A_68 = tpu.memref_slice %arg8[%run_scoped3A_30, %dma_start3A_66, %dma_start3A_67] : memref<3x100x128xf32, #tpu.memory_space<vmem>> -> memref<1x80x128xf32, #tpu.memory_space<vmem>>
      %dma_start3A_69 = tpu.memref_squeeze %dma_start3A_68 : memref<1x80x128xf32, #tpu.memory_space<vmem>> -> memref<80x128xf32, #tpu.memory_space<vmem>>
      tpu.enqueue_dma source(%dma_start3A_69 : memref<80x128xf32, #tpu.memory_space<vmem>>) target(%dma_start3A_65 : memref<80x128xf32, #tpu.memory_space<vmem_shared>>) target_semaphore(%run_scoped3A_58 : memref<!tpu.dma_semaphore, #tpu.memory_space<semaphore_mem>>)
      %dma_wait3A = arith.constant 0 : i32
      %dma_wait3A_70 = arith.constant 0 : i32
      %dma_wait3A_71 = tpu.memref_slice %arg8[%run_scoped3A_30, %dma_wait3A, %dma_wait3A_70] : memref<3x100x128xf32, #tpu.memory_space<vmem>> -> memref<1x80x128xf32, #tpu.memory_space<vmem>>
      %dma_wait3A_72 = tpu.memref_squeeze %dma_wait3A_71 : memref<1x80x128xf32, #tpu.memory_space<vmem>> -> memref<80x128xf32, #tpu.memory_space<vmem>>
      %dma_wait3A_73 = arith.constant 0 : i32
      %dma_wait3A_74 = tpu.memref_slice %arg9[%add3A_29, %dma_wait3A_73] : memref<10240x128xf32, #tpu.memory_space<vmem_shared>> -> memref<80x128xf32, #tpu.memory_space<vmem_shared>>
      %dma_wait3A_75 = arith.constant 0 : i32
      %dma_wait3A_76 = tpu.memref_slice %arg9[%add3A_29, %dma_wait3A_75] : memref<10240x128xf32, #tpu.memory_space<vmem_shared>> -> memref<80x128xf32, #tpu.memory_space<vmem_shared>>
      %dma_wait3A_77 = arith.constant 0 : i32
      %dma_wait3A_78 = arith.constant 0 : i32
      %dma_wait3A_79 = tpu.memref_slice %arg8[%run_scoped3A_30, %dma_wait3A_77, %dma_wait3A_78] : memref<3x100x128xf32, #tpu.memory_space<vmem>> -> memref<1x80x128xf32, #tpu.memory_space<vmem>>
      %dma_wait3A_80 = tpu.memref_squeeze %dma_wait3A_79 : memref<1x80x128xf32, #tpu.memory_space<vmem>> -> memref<80x128xf32, #tpu.memory_space<vmem>>
      tpu.wait_dma2 semaphore(%run_scoped3A_58 : memref<!tpu.dma_semaphore, #tpu.memory_space<semaphore_mem>>) src(%dma_wait3A_80 : memref<80x128xf32, #tpu.memory_space<vmem>>) dst(%dma_wait3A_76 : memref<80x128xf32, #tpu.memory_space<vmem_shared>>)
      tpu.yield
    }) : () -> ()
    %mul3A_31 = arith.constant 640 : i32
    %mul3A_32 = arith.muli %arg1, %mul3A_31 : i32
    %add3A_33 = arith.constant 400 : i32
    %add3A_34 = arith.addi %mul3A_32, %add3A_33 : i32
    %run_scoped3A_35 = arith.constant 0 : i32
    "tpu.region"() ({
      %run_scoped3A_58 = tpu.sem_alloc : memref<!tpu.dma_semaphore, #tpu.memory_space<semaphore_mem>>
      %dma_start3A = arith.constant 0 : i32
      %dma_start3A_59 = arith.constant 0 : i32
      %dma_start3A_60 = tpu.memref_slice %arg8[%run_scoped3A_35, %dma_start3A, %dma_start3A_59] : memref<3x100x128xf32, #tpu.memory_space<vmem>> -> memref<1x80x128xf32, #tpu.memory_space<vmem>>
      %dma_start3A_61 = tpu.memref_squeeze %dma_start3A_60 : memref<1x80x128xf32, #tpu.memory_space<vmem>> -> memref<80x128xf32, #tpu.memory_space<vmem>>
      %dma_start3A_62 = arith.constant 0 : i32
      %dma_start3A_63 = tpu.memref_slice %arg9[%add3A_34, %dma_start3A_62] : memref<10240x128xf32, #tpu.memory_space<vmem_shared>> -> memref<80x128xf32, #tpu.memory_space<vmem_shared>>
      %dma_start3A_64 = arith.constant 0 : i32
      %dma_start3A_65 = tpu.memref_slice %arg9[%add3A_34, %dma_start3A_64] : memref<10240x128xf32, #tpu.memory_space<vmem_shared>> -> memref<80x128xf32, #tpu.memory_space<vmem_shared>>
      %dma_start3A_66 = arith.constant 0 : i32
      %dma_start3A_67 = arith.constant 0 : i32
      %dma_start3A_68 = tpu.memref_slice %arg8[%run_scoped3A_35, %dma_start3A_66, %dma_start3A_67] : memref<3x100x128xf32, #tpu.memory_space<vmem>> -> memref<1x80x128xf32, #tpu.memory_space<vmem>>
      %dma_start3A_69 = tpu.memref_squeeze %dma_start3A_68 : memref<1x80x128xf32, #tpu.memory_space<vmem>> -> memref<80x128xf32, #tpu.memory_space<vmem>>
      tpu.enqueue_dma source(%dma_start3A_69 : memref<80x128xf32, #tpu.memory_space<vmem>>) target(%dma_start3A_65 : memref<80x128xf32, #tpu.memory_space<vmem_shared>>) target_semaphore(%run_scoped3A_58 : memref<!tpu.dma_semaphore, #tpu.memory_space<semaphore_mem>>)
      %dma_wait3A = arith.constant 0 : i32
      %dma_wait3A_70 = arith.constant 0 : i32
      %dma_wait3A_71 = tpu.memref_slice %arg8[%run_scoped3A_35, %dma_wait3A, %dma_wait3A_70] : memref<3x100x128xf32, #tpu.memory_space<vmem>> -> memref<1x80x128xf32, #tpu.memory_space<vmem>>
      %dma_wait3A_72 = tpu.memref_squeeze %dma_wait3A_71 : memref<1x80x128xf32, #tpu.memory_space<vmem>> -> memref<80x128xf32, #tpu.memory_space<vmem>>
      %dma_wait3A_73 = arith.constant 0 : i32
      %dma_wait3A_74 = tpu.memref_slice %arg9[%add3A_34, %dma_wait3A_73] : memref<10240x128xf32, #tpu.memory_space<vmem_shared>> -> memref<80x128xf32, #tpu.memory_space<vmem_shared>>
      %dma_wait3A_75 = arith.constant 0 : i32
      %dma_wait3A_76 = tpu.memref_slice %arg9[%add3A_34, %dma_wait3A_75] : memref<10240x128xf32, #tpu.memory_space<vmem_shared>> -> memref<80x128xf32, #tpu.memory_space<vmem_shared>>
      %dma_wait3A_77 = arith.constant 0 : i32
      %dma_wait3A_78 = arith.constant 0 : i32
      %dma_wait3A_79 = tpu.memref_slice %arg8[%run_scoped3A_35, %dma_wait3A_77, %dma_wait3A_78] : memref<3x100x128xf32, #tpu.memory_space<vmem>> -> memref<1x80x128xf32, #tpu.memory_space<vmem>>
      %dma_wait3A_80 = tpu.memref_squeeze %dma_wait3A_79 : memref<1x80x128xf32, #tpu.memory_space<vmem>> -> memref<80x128xf32, #tpu.memory_space<vmem>>
      tpu.wait_dma2 semaphore(%run_scoped3A_58 : memref<!tpu.dma_semaphore, #tpu.memory_space<semaphore_mem>>) src(%dma_wait3A_80 : memref<80x128xf32, #tpu.memory_space<vmem>>) dst(%dma_wait3A_76 : memref<80x128xf32, #tpu.memory_space<vmem_shared>>)
      tpu.yield
    }) : () -> ()
    %mul3A_36 = arith.constant 640 : i32
    %mul3A_37 = arith.muli %arg1, %mul3A_36 : i32
    %add3A_38 = arith.constant 480 : i32
    %add3A_39 = arith.addi %mul3A_37, %add3A_38 : i32
    %run_scoped3A_40 = arith.constant 0 : i32
    "tpu.region"() ({
      %run_scoped3A_58 = tpu.sem_alloc : memref<!tpu.dma_semaphore, #tpu.memory_space<semaphore_mem>>
      %dma_start3A = arith.constant 0 : i32
      %dma_start3A_59 = arith.constant 0 : i32
      %dma_start3A_60 = tpu.memref_slice %arg8[%run_scoped3A_40, %dma_start3A, %dma_start3A_59] : memref<3x100x128xf32, #tpu.memory_space<vmem>> -> memref<1x80x128xf32, #tpu.memory_space<vmem>>
      %dma_start3A_61 = tpu.memref_squeeze %dma_start3A_60 : memref<1x80x128xf32, #tpu.memory_space<vmem>> -> memref<80x128xf32, #tpu.memory_space<vmem>>
      %dma_start3A_62 = arith.constant 0 : i32
      %dma_start3A_63 = tpu.memref_slice %arg9[%add3A_39, %dma_start3A_62] : memref<10240x128xf32, #tpu.memory_space<vmem_shared>> -> memref<80x128xf32, #tpu.memory_space<vmem_shared>>
      %dma_start3A_64 = arith.constant 0 : i32
      %dma_start3A_65 = tpu.memref_slice %arg9[%add3A_39, %dma_start3A_64] : memref<10240x128xf32, #tpu.memory_space<vmem_shared>> -> memref<80x128xf32, #tpu.memory_space<vmem_shared>>
      %dma_start3A_66 = arith.constant 0 : i32
      %dma_start3A_67 = arith.constant 0 : i32
      %dma_start3A_68 = tpu.memref_slice %arg8[%run_scoped3A_40, %dma_start3A_66, %dma_start3A_67] : memref<3x100x128xf32, #tpu.memory_space<vmem>> -> memref<1x80x128xf32, #tpu.memory_space<vmem>>
      %dma_start3A_69 = tpu.memref_squeeze %dma_start3A_68 : memref<1x80x128xf32, #tpu.memory_space<vmem>> -> memref<80x128xf32, #tpu.memory_space<vmem>>
      tpu.enqueue_dma source(%dma_start3A_69 : memref<80x128xf32, #tpu.memory_space<vmem>>) target(%dma_start3A_65 : memref<80x128xf32, #tpu.memory_space<vmem_shared>>) target_semaphore(%run_scoped3A_58 : memref<!tpu.dma_semaphore, #tpu.memory_space<semaphore_mem>>)
      %dma_wait3A = arith.constant 0 : i32
      %dma_wait3A_70 = arith.constant 0 : i32
      %dma_wait3A_71 = tpu.memref_slice %arg8[%run_scoped3A_40, %dma_wait3A, %dma_wait3A_70] : memref<3x100x128xf32, #tpu.memory_space<vmem>> -> memref<1x80x128xf32, #tpu.memory_space<vmem>>
      %dma_wait3A_72 = tpu.memref_squeeze %dma_wait3A_71 : memref<1x80x128xf32, #tpu.memory_space<vmem>> -> memref<80x128xf32, #tpu.memory_space<vmem>>
      %dma_wait3A_73 = arith.constant 0 : i32
      %dma_wait3A_74 = tpu.memref_slice %arg9[%add3A_39, %dma_wait3A_73] : memref<10240x128xf32, #tpu.memory_space<vmem_shared>> -> memref<80x128xf32, #tpu.memory_space<vmem_shared>>
      %dma_wait3A_75 = arith.constant 0 : i32
      %dma_wait3A_76 = tpu.memref_slice %arg9[%add3A_39, %dma_wait3A_75] : memref<10240x128xf32, #tpu.memory_space<vmem_shared>> -> memref<80x128xf32, #tpu.memory_space<vmem_shared>>
      %dma_wait3A_77 = arith.constant 0 : i32
      %dma_wait3A_78 = arith.constant 0 : i32
      %dma_wait3A_79 = tpu.memref_slice %arg8[%run_scoped3A_40, %dma_wait3A_77, %dma_wait3A_78] : memref<3x100x128xf32, #tpu.memory_space<vmem>> -> memref<1x80x128xf32, #tpu.memory_space<vmem>>
      %dma_wait3A_80 = tpu.memref_squeeze %dma_wait3A_79 : memref<1x80x128xf32, #tpu.memory_space<vmem>> -> memref<80x128xf32, #tpu.memory_space<vmem>>
      tpu.wait_dma2 semaphore(%run_scoped3A_58 : memref<!tpu.dma_semaphore, #tpu.memory_space<semaphore_mem>>) src(%dma_wait3A_80 : memref<80x128xf32, #tpu.memory_space<vmem>>) dst(%dma_wait3A_76 : memref<80x128xf32, #tpu.memory_space<vmem_shared>>)
      tpu.yield
    }) : () -> ()
    %mul3A_41 = arith.constant 640 : i32
    %mul3A_42 = arith.muli %arg1, %mul3A_41 : i32
    %add3A_43 = arith.constant 560 : i32
    %add3A_44 = arith.addi %mul3A_42, %add3A_43 : i32
    %run_scoped3A_45 = arith.constant 0 : i32
    "tpu.region"() ({
      %run_scoped3A_58 = tpu.sem_alloc : memref<!tpu.dma_semaphore, #tpu.memory_space<semaphore_mem>>
      %dma_start3A = arith.constant 0 : i32
      %dma_start3A_59 = arith.constant 0 : i32
      %dma_start3A_60 = tpu.memref_slice %arg8[%run_scoped3A_45, %dma_start3A, %dma_start3A_59] : memref<3x100x128xf32, #tpu.memory_space<vmem>> -> memref<1x80x128xf32, #tpu.memory_space<vmem>>
      %dma_start3A_61 = tpu.memref_squeeze %dma_start3A_60 : memref<1x80x128xf32, #tpu.memory_space<vmem>> -> memref<80x128xf32, #tpu.memory_space<vmem>>
      %dma_start3A_62 = arith.constant 0 : i32
      %dma_start3A_63 = tpu.memref_slice %arg9[%add3A_44, %dma_start3A_62] : memref<10240x128xf32, #tpu.memory_space<vmem_shared>> -> memref<80x128xf32, #tpu.memory_space<vmem_shared>>
      %dma_start3A_64 = arith.constant 0 : i32
      %dma_start3A_65 = tpu.memref_slice %arg9[%add3A_44, %dma_start3A_64] : memref<10240x128xf32, #tpu.memory_space<vmem_shared>> -> memref<80x128xf32, #tpu.memory_space<vmem_shared>>
      %dma_start3A_66 = arith.constant 0 : i32
      %dma_start3A_67 = arith.constant 0 : i32
      %dma_start3A_68 = tpu.memref_slice %arg8[%run_scoped3A_45, %dma_start3A_66, %dma_start3A_67] : memref<3x100x128xf32, #tpu.memory_space<vmem>> -> memref<1x80x128xf32, #tpu.memory_space<vmem>>
      %dma_start3A_69 = tpu.memref_squeeze %dma_start3A_68 : memref<1x80x128xf32, #tpu.memory_space<vmem>> -> memref<80x128xf32, #tpu.memory_space<vmem>>
      tpu.enqueue_dma source(%dma_start3A_69 : memref<80x128xf32, #tpu.memory_space<vmem>>) target(%dma_start3A_65 : memref<80x128xf32, #tpu.memory_space<vmem_shared>>) target_semaphore(%run_scoped3A_58 : memref<!tpu.dma_semaphore, #tpu.memory_space<semaphore_mem>>)
      %dma_wait3A = arith.constant 0 : i32
      %dma_wait3A_70 = arith.constant 0 : i32
      %dma_wait3A_71 = tpu.memref_slice %arg8[%run_scoped3A_45, %dma_wait3A, %dma_wait3A_70] : memref<3x100x128xf32, #tpu.memory_space<vmem>> -> memref<1x80x128xf32, #tpu.memory_space<vmem>>
      %dma_wait3A_72 = tpu.memref_squeeze %dma_wait3A_71 : memref<1x80x128xf32, #tpu.memory_space<vmem>> -> memref<80x128xf32, #tpu.memory_space<vmem>>
      %dma_wait3A_73 = arith.constant 0 : i32
      %dma_wait3A_74 = tpu.memref_slice %arg9[%add3A_44, %dma_wait3A_73] : memref<10240x128xf32, #tpu.memory_space<vmem_shared>> -> memref<80x128xf32, #tpu.memory_space<vmem_shared>>
      %dma_wait3A_75 = arith.constant 0 : i32
      %dma_wait3A_76 = tpu.memref_slice %arg9[%add3A_44, %dma_wait3A_75] : memref<10240x128xf32, #tpu.memory_space<vmem_shared>> -> memref<80x128xf32, #tpu.memory_space<vmem_shared>>
      %dma_wait3A_77 = arith.constant 0 : i32
      %dma_wait3A_78 = arith.constant 0 : i32
      %dma_wait3A_79 = tpu.memref_slice %arg8[%run_scoped3A_45, %dma_wait3A_77, %dma_wait3A_78] : memref<3x100x128xf32, #tpu.memory_space<vmem>> -> memref<1x80x128xf32, #tpu.memory_space<vmem>>
      %dma_wait3A_80 = tpu.memref_squeeze %dma_wait3A_79 : memref<1x80x128xf32, #tpu.memory_space<vmem>> -> memref<80x128xf32, #tpu.memory_space<vmem>>
      tpu.wait_dma2 semaphore(%run_scoped3A_58 : memref<!tpu.dma_semaphore, #tpu.memory_space<semaphore_mem>>) src(%dma_wait3A_80 : memref<80x128xf32, #tpu.memory_space<vmem>>) dst(%dma_wait3A_76 : memref<80x128xf32, #tpu.memory_space<vmem_shared>>)
      tpu.yield
    }) : () -> ()
    %barrier3A = arith.constant 0 : index
    tpu.barrier barrier_id(%barrier3A)
    %scan3A_46 = arith.constant 0 : i32
    %scan3A_47 = arith.constant 0 : i32
    %scan3A_48 = arith.constant 4 : i32
    %scan3A_49 = arith.addi %scan3A_47, %scan3A_48 : i32
    %scan3A_50 = arith.constant 1 : i32
    %scan3A_51 = scf.for %scan3A_58 = %scan3A_47 to %scan3A_49 step %scan3A_50 iter_args(%scan3A_59 = %scan3A_46) -> (i32)  : i32 {
      "tpu.region"() ({
        %run_scoped3A_103 = tpu.sem_alloc : memref<!tpu.dma_semaphore, #tpu.memory_space<semaphore_mem>>
        %dma_start3A_104 = arith.constant 0 : i32
        %dma_start3A_105 = arith.constant 0 : i32
        %dma_start3A_106 = tpu.memref_slice %arg3[%add3A, %scan3A_58, %dma_start3A_104, %dma_start3A_105] : memref<32x4x25x100xi32, #tpu.memory_space<hbm>> -> memref<1x1x25x100xi32, #tpu.memory_space<hbm>>
        %dma_start3A_107 = tpu.memref_squeeze %dma_start3A_106 : memref<1x1x25x100xi32, #tpu.memory_space<hbm>> -> memref<25x100xi32, #tpu.memory_space<hbm>>
        %dma_start3A_108 = arith.constant 0 : i32
        %dma_start3A_109 = arith.constant 0 : i32
        %dma_start3A_110 = tpu.memref_slice %arg3[%add3A, %scan3A_58, %dma_start3A_108, %dma_start3A_109] : memref<32x4x25x100xi32, #tpu.memory_space<hbm>> -> memref<1x1x25x100xi32, #tpu.memory_space<hbm>>
        %dma_start3A_111 = tpu.memref_squeeze %dma_start3A_110 : memref<1x1x25x100xi32, #tpu.memory_space<hbm>> -> memref<25x100xi32, #tpu.memory_space<hbm>>
        tpu.enqueue_dma source(%dma_start3A_111 : memref<25x100xi32, #tpu.memory_space<hbm>>) target(%arg6 : memref<25x100xi32, #tpu.memory_space<vmem>>) target_semaphore(%run_scoped3A_103 : memref<!tpu.dma_semaphore, #tpu.memory_space<semaphore_mem>>)
        %dma_wait3A_112 = arith.constant 0 : i32
        %dma_wait3A_113 = arith.constant 0 : i32
        %dma_wait3A_114 = tpu.memref_slice %arg3[%add3A, %scan3A_58, %dma_wait3A_112, %dma_wait3A_113] : memref<32x4x25x100xi32, #tpu.memory_space<hbm>> -> memref<1x1x25x100xi32, #tpu.memory_space<hbm>>
        %dma_wait3A_115 = tpu.memref_squeeze %dma_wait3A_114 : memref<1x1x25x100xi32, #tpu.memory_space<hbm>> -> memref<25x100xi32, #tpu.memory_space<hbm>>
        %dma_wait3A_116 = arith.constant 0 : i32
        %dma_wait3A_117 = arith.constant 0 : i32
        %dma_wait3A_118 = tpu.memref_slice %arg3[%add3A, %scan3A_58, %dma_wait3A_116, %dma_wait3A_117] : memref<32x4x25x100xi32, #tpu.memory_space<hbm>> -> memref<1x1x25x100xi32, #tpu.memory_space<hbm>>
        %dma_wait3A_119 = tpu.memref_squeeze %dma_wait3A_118 : memref<1x1x25x100xi32, #tpu.memory_space<hbm>> -> memref<25x100xi32, #tpu.memory_space<hbm>>
        tpu.wait_dma2 semaphore(%run_scoped3A_103 : memref<!tpu.dma_semaphore, #tpu.memory_space<semaphore_mem>>) src(%dma_wait3A_119 : memref<25x100xi32, #tpu.memory_space<hbm>>) dst(%arg6 : memref<25x100xi32, #tpu.memory_space<vmem>>)
        tpu.yield
      }) : () -> ()
      "tpu.region"() ({
        %run_scoped3A_103 = tpu.sem_alloc : memref<!tpu.dma_semaphore, #tpu.memory_space<semaphore_mem>>
        %dma_start3A_104 = arith.constant 0 : i32
        %dma_start3A_105 = arith.constant 0 : i32
        %dma_start3A_106 = tpu.memref_slice %arg4[%add3A, %scan3A_58, %dma_start3A_104, %dma_start3A_105] : memref<32x4x25x100xi32, #tpu.memory_space<hbm>> -> memref<1x1x25x100xi32, #tpu.memory_space<hbm>>
        %dma_start3A_107 = tpu.memref_squeeze %dma_start3A_106 : memref<1x1x25x100xi32, #tpu.memory_space<hbm>> -> memref<25x100xi32, #tpu.memory_space<hbm>>
        %dma_start3A_108 = arith.constant 0 : i32
        %dma_start3A_109 = arith.constant 0 : i32
        %dma_start3A_110 = tpu.memref_slice %arg4[%add3A, %scan3A_58, %dma_start3A_108, %dma_start3A_109] : memref<32x4x25x100xi32, #tpu.memory_space<hbm>> -> memref<1x1x25x100xi32, #tpu.memory_space<hbm>>
        %dma_start3A_111 = tpu.memref_squeeze %dma_start3A_110 : memref<1x1x25x100xi32, #tpu.memory_space<hbm>> -> memref<25x100xi32, #tpu.memory_space<hbm>>
        tpu.enqueue_dma source(%dma_start3A_111 : memref<25x100xi32, #tpu.memory_space<hbm>>) target(%arg7 : memref<25x100xi32, #tpu.memory_space<vmem>>) target_semaphore(%run_scoped3A_103 : memref<!tpu.dma_semaphore, #tpu.memory_space<semaphore_mem>>)
        %dma_wait3A_112 = arith.constant 0 : i32
        %dma_wait3A_113 = arith.constant 0 : i32
        %dma_wait3A_114 = tpu.memref_slice %arg4[%add3A, %scan3A_58, %dma_wait3A_112, %dma_wait3A_113] : memref<32x4x25x100xi32, #tpu.memory_space<hbm>> -> memref<1x1x25x100xi32, #tpu.memory_space<hbm>>
        %dma_wait3A_115 = tpu.memref_squeeze %dma_wait3A_114 : memref<1x1x25x100xi32, #tpu.memory_space<hbm>> -> memref<25x100xi32, #tpu.memory_space<hbm>>
        %dma_wait3A_116 = arith.constant 0 : i32
        %dma_wait3A_117 = arith.constant 0 : i32
        %dma_wait3A_118 = tpu.memref_slice %arg4[%add3A, %scan3A_58, %dma_wait3A_116, %dma_wait3A_117] : memref<32x4x25x100xi32, #tpu.memory_space<hbm>> -> memref<1x1x25x100xi32, #tpu.memory_space<hbm>>
        %dma_wait3A_119 = tpu.memref_squeeze %dma_wait3A_118 : memref<1x1x25x100xi32, #tpu.memory_space<hbm>> -> memref<25x100xi32, #tpu.memory_space<hbm>>
        tpu.wait_dma2 semaphore(%run_scoped3A_103 : memref<!tpu.dma_semaphore, #tpu.memory_space<semaphore_mem>>) src(%dma_wait3A_119 : memref<25x100xi32, #tpu.memory_space<hbm>>) dst(%arg7 : memref<25x100xi32, #tpu.memory_space<vmem>>)
        tpu.yield
      }) : () -> ()
      %dma_start3A = arith.constant 0 : i32
      %dma_start3A_60 = arith.constant 0 : i32
      %dma_start3A_61 = arith.constant 0 : i32
      %dma_start3A_62 = arith.constant 0 : i32
      %dma_start3A_63 = tpu.memref_slice %arg8[%dma_start3A_60, %dma_start3A_61, %dma_start3A_62] : memref<3x100x128xf32, #tpu.memory_space<vmem>> -> memref<1x100x128xf32, #tpu.memory_space<vmem>>
      %dma_start3A_64 = tpu.memref_squeeze %dma_start3A_63 : memref<1x100x128xf32, #tpu.memory_space<vmem>> -> memref<100x128xf32, #tpu.memory_space<vmem>>
      %dma_start3A_65 = arith.constant 0 : i32
      %dma_start3A_66 = tpu.memref_slice %arg6[%dma_start3A, %dma_start3A_65] : memref<25x100xi32, #tpu.memory_space<vmem>> -> memref<1x100xi32, #tpu.memory_space<vmem>>
      %dma_start3A_67 = tpu.memref_squeeze %dma_start3A_66 : memref<1x100xi32, #tpu.memory_space<vmem>> -> memref<100xi32, #tpu.memory_space<vmem>>
      %dma_start3A_68 = arith.constant 0 : i32
      %dma_start3A_69 = arith.constant 0 : i32
      %dma_start3A_70 = tpu.memref_slice %arg2[%dma_start3A_68, %dma_start3A_69] : memref<10000x128xf32, #tpu.memory_space<hbm>> -> memref<10000x128xf32, #tpu.memory_space<hbm>>
      tpu.enqueue_indirect_dma source(%dma_start3A_70 : memref<10000x128xf32, #tpu.memory_space<hbm>>) target(%dma_start3A_64 : memref<100x128xf32, #tpu.memory_space<vmem>>) offsets(%dma_start3A_67 : memref<100xi32, #tpu.memory_space<vmem>>) semaphore(%arg10 : memref<!tpu.dma_semaphore, #tpu.memory_space<semaphore_mem>>)
      %dma_start3A_71 = arith.constant 1 : i32
      %dma_start3A_72 = arith.constant 1 : i32
      %dma_start3A_73 = arith.constant 0 : i32
      %dma_start3A_74 = arith.constant 0 : i32
      %dma_start3A_75 = tpu.memref_slice %arg8[%dma_start3A_72, %dma_start3A_73, %dma_start3A_74] : memref<3x100x128xf32, #tpu.memory_space<vmem>> -> memref<1x100x128xf32, #tpu.memory_space<vmem>>
      %dma_start3A_76 = tpu.memref_squeeze %dma_start3A_75 : memref<1x100x128xf32, #tpu.memory_space<vmem>> -> memref<100x128xf32, #tpu.memory_space<vmem>>
      %dma_start3A_77 = arith.constant 0 : i32
      %dma_start3A_78 = tpu.memref_slice %arg6[%dma_start3A_71, %dma_start3A_77] : memref<25x100xi32, #tpu.memory_space<vmem>> -> memref<1x100xi32, #tpu.memory_space<vmem>>
      %dma_start3A_79 = tpu.memref_squeeze %dma_start3A_78 : memref<1x100xi32, #tpu.memory_space<vmem>> -> memref<100xi32, #tpu.memory_space<vmem>>
      %dma_start3A_80 = arith.constant 0 : i32
      %dma_start3A_81 = arith.constant 0 : i32
      %dma_start3A_82 = tpu.memref_slice %arg2[%dma_start3A_80, %dma_start3A_81] : memref<10000x128xf32, #tpu.memory_space<hbm>> -> memref<10000x128xf32, #tpu.memory_space<hbm>>
      tpu.enqueue_indirect_dma source(%dma_start3A_82 : memref<10000x128xf32, #tpu.memory_space<hbm>>) target(%dma_start3A_76 : memref<100x128xf32, #tpu.memory_space<vmem>>) offsets(%dma_start3A_79 : memref<100xi32, #tpu.memory_space<vmem>>) semaphore(%arg10 : memref<!tpu.dma_semaphore, #tpu.memory_space<semaphore_mem>>)
      %scan3A_83 = arith.constant 0 : i32
      %scan3A_84 = arith.constant 0 : i32
      %scan3A_85 = arith.constant 25 : i32
      %scan3A_86 = arith.addi %scan3A_84, %scan3A_85 : i32
      %scan3A_87 = arith.constant 1 : i32
      %scan3A_88 = scf.for %scan3A_103 = %scan3A_84 to %scan3A_86 step %scan3A_87 iter_args(%scan3A_104 = %scan3A_83) -> (i32)  : i32 {
        %rem3A_105 = arith.constant 3 : i32
        %rem3A_106 = arith.remsi %scan3A_103, %rem3A_105 : i32
        %dma_wait3A_107 = arith.constant 0 : i32
        %dma_wait3A_108 = arith.constant 0 : i32
        %dma_wait3A_109 = tpu.memref_slice %arg8[%rem3A_106, %dma_wait3A_107, %dma_wait3A_108] : memref<3x100x128xf32, #tpu.memory_space<vmem>> -> memref<1x100x128xf32, #tpu.memory_space<vmem>>
        %dma_wait3A_110 = tpu.memref_squeeze %dma_wait3A_109 : memref<1x100x128xf32, #tpu.memory_space<vmem>> -> memref<100x128xf32, #tpu.memory_space<vmem>>
        %dma_wait3A_111 = arith.constant 0 : i32
        %dma_wait3A_112 = tpu.memref_slice %arg6[%scan3A_103, %dma_wait3A_111] : memref<25x100xi32, #tpu.memory_space<vmem>> -> memref<1x100xi32, #tpu.memory_space<vmem>>
        %dma_wait3A_113 = tpu.memref_squeeze %dma_wait3A_112 : memref<1x100xi32, #tpu.memory_space<vmem>> -> memref<100xi32, #tpu.memory_space<vmem>>
        %dma_wait3A_114 = arith.constant 0 : i32
        %dma_wait3A_115 = arith.constant 0 : i32
        %dma_wait3A_116 = tpu.memref_slice %arg2[%dma_wait3A_114, %dma_wait3A_115] : memref<10000x128xf32, #tpu.memory_space<hbm>> -> memref<10000x128xf32, #tpu.memory_space<hbm>>
        tpu.wait_indirect_dma semaphore(%arg10 : memref<!tpu.dma_semaphore, #tpu.memory_space<semaphore_mem>>) src(%dma_wait3A_116 : memref<10000x128xf32, #tpu.memory_space<hbm>>) dst(%dma_wait3A_110 : memref<100x128xf32, #tpu.memory_space<vmem>>)
        %ge3A = arith.constant 1 : i32
        %ge3A_117 = arith.cmpi sge, %scan3A_103, %ge3A : i32
        %convert_element_type3A = arith.extui %ge3A_117 : i1 to i32
        %cond3A = arith.constant 0 : i32
        %cond3A_118 = arith.cmpi ne, %convert_element_type3A, %cond3A : i32
        scf.if %cond3A_118 {
          %add3A_136 = arith.constant 2 : i32
          %add3A_137 = arith.addi %scan3A_103, %add3A_136 : i32
          %rem3A_138 = arith.constant 3 : i32
          %rem3A_139 = arith.remsi %add3A_137, %rem3A_138 : i32
          %sub3A = arith.constant 1 : i32
          %sub3A_140 = arith.subi %scan3A_103, %sub3A : i32
          %dma_wait3A_141 = arith.constant 0 : i32
          %dma_wait3A_142 = arith.constant 0 : i32
          %dma_wait3A_143 = tpu.memref_slice %arg8[%rem3A_139, %dma_wait3A_141, %dma_wait3A_142] : memref<3x100x128xf32, #tpu.memory_space<vmem>> -> memref<1x100x128xf32, #tpu.memory_space<vmem>>
          %dma_wait3A_144 = tpu.memref_squeeze %dma_wait3A_143 : memref<1x100x128xf32, #tpu.memory_space<vmem>> -> memref<100x128xf32, #tpu.memory_space<vmem>>
          %dma_wait3A_145 = arith.constant 0 : i32
          %dma_wait3A_146 = tpu.memref_slice %arg7[%sub3A_140, %dma_wait3A_145] : memref<25x100xi32, #tpu.memory_space<vmem>> -> memref<1x100xi32, #tpu.memory_space<vmem>>
          %dma_wait3A_147 = tpu.memref_squeeze %dma_wait3A_146 : memref<1x100xi32, #tpu.memory_space<vmem>> -> memref<100xi32, #tpu.memory_space<vmem>>
          %dma_wait3A_148 = arith.constant 0 : i32
          %dma_wait3A_149 = arith.constant 0 : i32
          %dma_wait3A_150 = tpu.memref_slice %arg9[%dma_wait3A_148, %dma_wait3A_149] : memref<10240x128xf32, #tpu.memory_space<vmem_shared>> -> memref<10240x128xf32, #tpu.memory_space<vmem_shared>>
          tpu.wait_indirect_dma semaphore(%arg11 : memref<!tpu.dma_semaphore, #tpu.memory_space<semaphore_mem>>) src(%dma_wait3A_144 : memref<100x128xf32, #tpu.memory_space<vmem>>) dst(%dma_wait3A_150 : memref<10240x128xf32, #tpu.memory_space<vmem_shared>>)
        } else {
        }
        %add3A_119 = arith.constant 2 : i32
        %add3A_120 = arith.addi %scan3A_103, %add3A_119 : i32
        %lt3A = arith.constant 25 : i32
        %lt3A_121 = arith.cmpi slt, %add3A_120, %lt3A : i32
        %convert_element_type3A_122 = arith.extui %lt3A_121 : i1 to i32
        %cond3A_123 = arith.constant 0 : i32
        %cond3A_124 = arith.cmpi ne, %convert_element_type3A_122, %cond3A_123 : i32
        scf.if %cond3A_124 {
          %add3A_136 = arith.constant 2 : i32
          %add3A_137 = arith.addi %scan3A_103, %add3A_136 : i32
          %add3A_138 = arith.constant 2 : i32
          %add3A_139 = arith.addi %scan3A_103, %add3A_138 : i32
          %rem3A_140 = arith.constant 3 : i32
          %rem3A_141 = arith.remsi %add3A_139, %rem3A_140 : i32
          %dma_start3A_142 = arith.constant 0 : i32
          %dma_start3A_143 = arith.constant 0 : i32
          %dma_start3A_144 = tpu.memref_slice %arg8[%rem3A_141, %dma_start3A_142, %dma_start3A_143] : memref<3x100x128xf32, #tpu.memory_space<vmem>> -> memref<1x100x128xf32, #tpu.memory_space<vmem>>
          %dma_start3A_145 = tpu.memref_squeeze %dma_start3A_144 : memref<1x100x128xf32, #tpu.memory_space<vmem>> -> memref<100x128xf32, #tpu.memory_space<vmem>>
          %dma_start3A_146 = arith.constant 0 : i32
          %dma_start3A_147 = tpu.memref_slice %arg6[%add3A_137, %dma_start3A_146] : memref<25x100xi32, #tpu.memory_space<vmem>> -> memref<1x100xi32, #tpu.memory_space<vmem>>
          %dma_start3A_148 = tpu.memref_squeeze %dma_start3A_147 : memref<1x100xi32, #tpu.memory_space<vmem>> -> memref<100xi32, #tpu.memory_space<vmem>>
          %dma_start3A_149 = arith.constant 0 : i32
          %dma_start3A_150 = arith.constant 0 : i32
          %dma_start3A_151 = tpu.memref_slice %arg2[%dma_start3A_149, %dma_start3A_150] : memref<10000x128xf32, #tpu.memory_space<hbm>> -> memref<10000x128xf32, #tpu.memory_space<hbm>>
          tpu.enqueue_indirect_dma source(%dma_start3A_151 : memref<10000x128xf32, #tpu.memory_space<hbm>>) target(%dma_start3A_145 : memref<100x128xf32, #tpu.memory_space<vmem>>) offsets(%dma_start3A_148 : memref<100xi32, #tpu.memory_space<vmem>>) semaphore(%arg10 : memref<!tpu.dma_semaphore, #tpu.memory_space<semaphore_mem>>)
        } else {
        }
        %dma_start3A_125 = arith.constant 0 : i32
        %dma_start3A_126 = arith.constant 0 : i32
        %dma_start3A_127 = tpu.memref_slice %arg8[%rem3A_106, %dma_start3A_125, %dma_start3A_126] : memref<3x100x128xf32, #tpu.memory_space<vmem>> -> memref<1x100x128xf32, #tpu.memory_space<vmem>>
        %dma_start3A_128 = tpu.memref_squeeze %dma_start3A_127 : memref<1x100x128xf32, #tpu.memory_space<vmem>> -> memref<100x128xf32, #tpu.memory_space<vmem>>
        %dma_start3A_129 = arith.constant 0 : i32
        %dma_start3A_130 = tpu.memref_slice %arg7[%scan3A_103, %dma_start3A_129] : memref<25x100xi32, #tpu.memory_space<vmem>> -> memref<1x100xi32, #tpu.memory_space<vmem>>
        %dma_start3A_131 = tpu.memref_squeeze %dma_start3A_130 : memref<1x100xi32, #tpu.memory_space<vmem>> -> memref<100xi32, #tpu.memory_space<vmem>>
        %dma_start3A_132 = arith.constant 0 : i32
        %dma_start3A_133 = arith.constant 0 : i32
        %dma_start3A_134 = tpu.memref_slice %arg9[%dma_start3A_132, %dma_start3A_133] : memref<10240x128xf32, #tpu.memory_space<vmem_shared>> -> memref<10240x128xf32, #tpu.memory_space<vmem_shared>>
        tpu.enqueue_indirect_dma source(%dma_start3A_128 : memref<100x128xf32, #tpu.memory_space<vmem>>) target(%dma_start3A_134 : memref<10240x128xf32, #tpu.memory_space<vmem_shared>>) offsets(%dma_start3A_131 : memref<100xi32, #tpu.memory_space<vmem>>) semaphore(%arg11 : memref<!tpu.dma_semaphore, #tpu.memory_space<semaphore_mem>>) {add = true}
        %scan3A_135 = arith.constant 0 : i32
        scf.yield %scan3A_135 : i32
      }
      %scan3A_89 = arith.constant 25 : i32
      %rem3A = arith.constant 24 : i32
      %rem3A_90 = arith.constant 3 : i32
      %rem3A_91 = arith.remsi %rem3A, %rem3A_90 : i32
      %dma_wait3A = arith.constant 24 : i32
      %dma_wait3A_92 = arith.constant 0 : i32
      %dma_wait3A_93 = arith.constant 0 : i32
      %dma_wait3A_94 = tpu.memref_slice %arg8[%rem3A_91, %dma_wait3A_92, %dma_wait3A_93] : memref<3x100x128xf32, #tpu.memory_space<vmem>> -> memref<1x100x128xf32, #tpu.memory_space<vmem>>
      %dma_wait3A_95 = tpu.memref_squeeze %dma_wait3A_94 : memref<1x100x128xf32, #tpu.memory_space<vmem>> -> memref<100x128xf32, #tpu.memory_space<vmem>>
      %dma_wait3A_96 = arith.constant 0 : i32
      %dma_wait3A_97 = tpu.memref_slice %arg7[%dma_wait3A, %dma_wait3A_96] : memref<25x100xi32, #tpu.memory_space<vmem>> -> memref<1x100xi32, #tpu.memory_space<vmem>>
      %dma_wait3A_98 = tpu.memref_squeeze %dma_wait3A_97 : memref<1x100xi32, #tpu.memory_space<vmem>> -> memref<100xi32, #tpu.memory_space<vmem>>
      %dma_wait3A_99 = arith.constant 0 : i32
      %dma_wait3A_100 = arith.constant 0 : i32
      %dma_wait3A_101 = tpu.memref_slice %arg9[%dma_wait3A_99, %dma_wait3A_100] : memref<10240x128xf32, #tpu.memory_space<vmem_shared>> -> memref<10240x128xf32, #tpu.memory_space<vmem_shared>>
      tpu.wait_indirect_dma semaphore(%arg11 : memref<!tpu.dma_semaphore, #tpu.memory_space<semaphore_mem>>) src(%dma_wait3A_95 : memref<100x128xf32, #tpu.memory_space<vmem>>) dst(%dma_wait3A_101 : memref<10240x128xf32, #tpu.memory_space<vmem_shared>>)
      %scan3A_102 = arith.constant 0 : i32
      scf.yield %scan3A_102 : i32
    }
    %scan3A_52 = arith.constant 4 : i32
    %barrier3A_53 = arith.constant 0 : index
    tpu.barrier barrier_id(%barrier3A_53)
    %mul3A_54 = arith.constant 640 : i32
    %mul3A_55 = arith.muli %arg1, %mul3A_54 : i32
    %mul3A_56 = arith.constant 640 : i32
    %mul3A_57 = arith.muli %arg1, %mul3A_56 : i32
    "tpu.region"() ({
      %run_scoped3A_58 = tpu.sem_alloc : memref<!tpu.dma_semaphore, #tpu.memory_space<semaphore_mem>>
      %dma_start3A = arith.constant 0 : i32
      %dma_start3A_59 = tpu.memref_slice %arg5[%arg0, %mul3A_57, %dma_start3A] : memref<2x10240x128xf32, #tpu.memory_space<hbm>> -> memref<1x640x128xf32, #tpu.memory_space<hbm>>
      %dma_start3A_60 = tpu.memref_squeeze %dma_start3A_59 : memref<1x640x128xf32, #tpu.memory_space<hbm>> -> memref<640x128xf32, #tpu.memory_space<hbm>>
      %dma_start3A_61 = arith.constant 0 : i32
      %dma_start3A_62 = tpu.memref_slice %arg9[%mul3A_55, %dma_start3A_61] : memref<10240x128xf32, #tpu.memory_space<vmem_shared>> -> memref<640x128xf32, #tpu.memory_space<vmem_shared>>
      tpu.enqueue_dma source(%dma_start3A_62 : memref<640x128xf32, #tpu.memory_space<vmem_shared>>) target(%dma_start3A_60 : memref<640x128xf32, #tpu.memory_space<hbm>>) target_semaphore(%run_scoped3A_58 : memref<!tpu.dma_semaphore, #tpu.memory_space<semaphore_mem>>)
      %dma_wait3A = arith.constant 0 : i32
      %dma_wait3A_63 = tpu.memref_slice %arg5[%arg0, %mul3A_57, %dma_wait3A] : memref<2x10240x128xf32, #tpu.memory_space<hbm>> -> memref<1x640x128xf32, #tpu.memory_space<hbm>>
      %dma_wait3A_64 = tpu.memref_squeeze %dma_wait3A_63 : memref<1x640x128xf32, #tpu.memory_space<hbm>> -> memref<640x128xf32, #tpu.memory_space<hbm>>
      %dma_wait3A_65 = arith.constant 0 : i32
      %dma_wait3A_66 = tpu.memref_slice %arg9[%mul3A_55, %dma_wait3A_65] : memref<10240x128xf32, #tpu.memory_space<vmem_shared>> -> memref<640x128xf32, #tpu.memory_space<vmem_shared>>
      tpu.wait_dma2 semaphore(%run_scoped3A_58 : memref<!tpu.dma_semaphore, #tpu.memory_space<semaphore_mem>>) src(%dma_wait3A_66 : memref<640x128xf32, #tpu.memory_space<vmem_shared>>) dst(%dma_wait3A_64 : memref<640x128xf32, #tpu.memory_space<hbm>>)
      tpu.yield
    }) : () -> ()
    return
  }
}

#map = affine_map<(d0, d1) -> (0, 0)>
#map1 = affine_map<(d0, d1) -> (0, 0, 0, 0)>
#map2 = affine_map<(d0, d1) -> (0, 0, 0)>
module attributes {stable_mosaic.version = 14 : i64} {
  func.func @_edge_kernel(%arg0: i32, %arg1: i32, %arg2: memref<10000x128xf32, #tpu.memory_space<hbm>>, %arg3: memref<32x4x25x100xi32, #tpu.memory_space<hbm>>, %arg4: memref<32x4x25x100xi32, #tpu.memory_space<hbm>>, %arg5: memref<2x10240x128xf32, #tpu.memory_space<hbm>>, %arg6: memref<25x100xi32, #tpu.memory_space<vmem>>, %arg7: memref<25x100xi32, #tpu.memory_space<vmem>>, %arg8: memref<3x100x128xf32, #tpu.memory_space<vmem>>, %arg9: memref<10240x128xf32, #tpu.memory_space<vmem_shared>>, %arg10: memref<!tpu.dma_semaphore, #tpu.memory_space<semaphore_mem>>, %arg11: memref<!tpu.dma_semaphore, #tpu.memory_space<semaphore_mem>>) attributes {dimension_semantics = [#tpu.dimension_semantics<core_parallel>, #tpu.dimension_semantics<subcore_parallel>], iteration_bounds = array<i64: 2, 16>, scalar_prefetch = 0 : i64, scratch_operands = 6 : i64, tpu.core_type = #tpu.core_type<sc_vector_subcore>, window_params = [{transform_indices = #map}, {transform_indices = #map1}, {transform_indices = #map1}, {transform_indices = #map2}]} {
    %mul3A = arith.constant 2 : i32
    %mul3A_0 = arith.muli %arg1, %mul3A : i32
    %add3A = arith.addi %mul3A_0, %arg0 : i32
    %scan3A = arith.constant 0 : i32
    %scan3A_1 = arith.constant 0 : i32
    %scan3A_2 = arith.constant 100 : i32
    %scan3A_3 = arith.addi %scan3A_1, %scan3A_2 : i32
    %scan3A_4 = arith.constant 1 : i32
    %scan3A_5 = scf.for %scan3A_58 = %scan3A_1 to %scan3A_3 step %scan3A_4 iter_args(%scan3A_59 = %scan3A) -> (i32)  : i32 {
      %scan3A_60 = arith.constant 0 : i32
      %scan3A_61 = arith.constant 0 : i32
      %scan3A_62 = arith.constant 8 : i32
      %scan3A_63 = arith.addi %scan3A_61, %scan3A_62 : i32
      %scan3A_64 = arith.constant 1 : i32
      %scan3A_65 = scf.for %scan3A_68 = %scan3A_61 to %scan3A_63 step %scan3A_64 iter_args(%scan3A_69 = %scan3A_60) -> (i32)  : i32 {
        %broadcast_in_dim3A = arith.constant 0.000000e+00 : f32
        %broadcast_in_dim3A_70 = vector.broadcast %broadcast_in_dim3A : f32 to vector<16xf32>
        %mul3A_71 = arith.constant 16 : i32
        %mul3A_72 = arith.muli %scan3A_68, %mul3A_71 : i32
        %swap3A = arith.constant 0 : i32
        %swap3A_73 = arith.index_cast %swap3A : i32 to index
        %swap3A_74 = arith.index_cast %scan3A_58 : i32 to index
        %swap3A_75 = arith.index_cast %mul3A_72 : i32 to index
        %swap3A_76 = tpu.vector_load %arg8[%swap3A_73, %swap3A_74, %swap3A_75] {strides = array<i32>} : memref<3x100x128xf32, #tpu.memory_space<vmem>>, vector<1x1x16xf32>,
        %swap3A_77 = vector.shape_cast %swap3A_76 : vector<1x1x16xf32> to vector<16xf32>
        %swap3A_78 = vector.shape_cast %broadcast_in_dim3A_70 : vector<16xf32> to vector<1x1x16xf32>
        tpu.vector_store %arg8[%swap3A_73, %swap3A_74, %swap3A_75], %swap3A_78 {strides = array<i32>} : memref<3x100x128xf32, #tpu.memory_space<vmem>>, vector<1x1x16xf32>,
        %scan3A_79 = arith.constant 0 : i32
        scf.yield %scan3A_79 : i32
      }
      %scan3A_66 = arith.constant 8 : i32
      %scan3A_67 = arith.constant 0 : i32
      scf.yield %scan3A_67 : i32
    }
    %scan3A_6 = arith.constant 100 : i32
    %mul3A_7 = arith.constant 640 : i32
    %mul3A_8 = arith.muli %arg1, %mul3A_7 : i32
    %add3A_9 = arith.constant 0 : i32
    %add3A_10 = arith.addi %mul3A_8, %add3A_9 : i32
    %run_scoped3A = arith.constant 0 : i32
    "tpu.region"() ({
      %run_scoped3A_58 = tpu.sem_alloc : memref<!tpu.dma_semaphore, #tpu.memory_space<semaphore_mem>>
      %dma_start3A = arith.constant 0 : i32
      %dma_start3A_59 = arith.constant 0 : i32
      %dma_start3A_60 = tpu.memref_slice %arg8[%run_scoped3A, %dma_start3A, %dma_start3A_59] : memref<3x100x128xf32, #tpu.memory_space<vmem>> -> memref<1x80x128xf32, #tpu.memory_space<vmem>>
      %dma_start3A_61 = tpu.memref_squeeze %dma_start3A_60 : memref<1x80x128xf32, #tpu.memory_space<vmem>> -> memref<80x128xf32, #tpu.memory_space<vmem>>
      %dma_start3A_62 = arith.constant 0 : i32
      %dma_start3A_63 = tpu.memref_slice %arg9[%add3A_10, %dma_start3A_62] : memref<10240x128xf32, #tpu.memory_space<vmem_shared>> -> memref<80x128xf32, #tpu.memory_space<vmem_shared>>
      %dma_start3A_64 = arith.constant 0 : i32
      %dma_start3A_65 = tpu.memref_slice %arg9[%add3A_10, %dma_start3A_64] : memref<10240x128xf32, #tpu.memory_space<vmem_shared>> -> memref<80x128xf32, #tpu.memory_space<vmem_shared>>
      %dma_start3A_66 = arith.constant 0 : i32
      %dma_start3A_67 = arith.constant 0 : i32
      %dma_start3A_68 = tpu.memref_slice %arg8[%run_scoped3A, %dma_start3A_66, %dma_start3A_67] : memref<3x100x128xf32, #tpu.memory_space<vmem>> -> memref<1x80x128xf32, #tpu.memory_space<vmem>>
      %dma_start3A_69 = tpu.memref_squeeze %dma_start3A_68 : memref<1x80x128xf32, #tpu.memory_space<vmem>> -> memref<80x128xf32, #tpu.memory_space<vmem>>
      tpu.enqueue_dma source(%dma_start3A_69 : memref<80x128xf32, #tpu.memory_space<vmem>>) target(%dma_start3A_65 : memref<80x128xf32, #tpu.memory_space<vmem_shared>>) target_semaphore(%run_scoped3A_58 : memref<!tpu.dma_semaphore, #tpu.memory_space<semaphore_mem>>)
      %dma_wait3A = arith.constant 0 : i32
      %dma_wait3A_70 = arith.constant 0 : i32
      %dma_wait3A_71 = tpu.memref_slice %arg8[%run_scoped3A, %dma_wait3A, %dma_wait3A_70] : memref<3x100x128xf32, #tpu.memory_space<vmem>> -> memref<1x80x128xf32, #tpu.memory_space<vmem>>
      %dma_wait3A_72 = tpu.memref_squeeze %dma_wait3A_71 : memref<1x80x128xf32, #tpu.memory_space<vmem>> -> memref<80x128xf32, #tpu.memory_space<vmem>>
      %dma_wait3A_73 = arith.constant 0 : i32
      %dma_wait3A_74 = tpu.memref_slice %arg9[%add3A_10, %dma_wait3A_73] : memref<10240x128xf32, #tpu.memory_space<vmem_shared>> -> memref<80x128xf32, #tpu.memory_space<vmem_shared>>
      %dma_wait3A_75 = arith.constant 0 : i32
      %dma_wait3A_76 = tpu.memref_slice %arg9[%add3A_10, %dma_wait3A_75] : memref<10240x128xf32, #tpu.memory_space<vmem_shared>> -> memref<80x128xf32, #tpu.memory_space<vmem_shared>>
      %dma_wait3A_77 = arith.constant 0 : i32
      %dma_wait3A_78 = arith.constant 0 : i32
      %dma_wait3A_79 = tpu.memref_slice %arg8[%run_scoped3A, %dma_wait3A_77, %dma_wait3A_78] : memref<3x100x128xf32, #tpu.memory_space<vmem>> -> memref<1x80x128xf32, #tpu.memory_space<vmem>>
      %dma_wait3A_80 = tpu.memref_squeeze %dma_wait3A_79 : memref<1x80x128xf32, #tpu.memory_space<vmem>> -> memref<80x128xf32, #tpu.memory_space<vmem>>
      tpu.wait_dma2 semaphore(%run_scoped3A_58 : memref<!tpu.dma_semaphore, #tpu.memory_space<semaphore_mem>>) src(%dma_wait3A_80 : memref<80x128xf32, #tpu.memory_space<vmem>>) dst(%dma_wait3A_76 : memref<80x128xf32, #tpu.memory_space<vmem_shared>>)
      tpu.yield
    }) : () -> ()
    %mul3A_11 = arith.constant 640 : i32
    %mul3A_12 = arith.muli %arg1, %mul3A_11 : i32
    %add3A_13 = arith.constant 80 : i32
    %add3A_14 = arith.addi %mul3A_12, %add3A_13 : i32
    %run_scoped3A_15 = arith.constant 0 : i32
    "tpu.region"() ({
      %run_scoped3A_58 = tpu.sem_alloc : memref<!tpu.dma_semaphore, #tpu.memory_space<semaphore_mem>>
      %dma_start3A = arith.constant 0 : i32
      %dma_start3A_59 = arith.constant 0 : i32
      %dma_start3A_60 = tpu.memref_slice %arg8[%run_scoped3A_15, %dma_start3A, %dma_start3A_59] : memref<3x100x128xf32, #tpu.memory_space<vmem>> -> memref<1x80x128xf32, #tpu.memory_space<vmem>>
      %dma_start3A_61 = tpu.memref_squeeze %dma_start3A_60 : memref<1x80x128xf32, #tpu.memory_space<vmem>> -> memref<80x128xf32, #tpu.memory_space<vmem>>
      %dma_start3A_62 = arith.constant 0 : i32
      %dma_start3A_63 = tpu.memref_slice %arg9[%add3A_14, %dma_start3A_62] : memref<10240x128xf32, #tpu.memory_space<vmem_shared>> -> memref<80x128xf32, #tpu.memory_space<vmem_shared>>
      %dma_start3A_64 = arith.constant 0 : i32
      %dma_start3A_65 = tpu.memref_slice %arg9[%add3A_14, %dma_start3A_64] : memref<10240x128xf32, #tpu.memory_space<vmem_shared>> -> memref<80x128xf32, #tpu.memory_space<vmem_shared>>
      %dma_start3A_66 = arith.constant 0 : i32
      %dma_start3A_67 = arith.constant 0 : i32
      %dma_start3A_68 = tpu.memref_slice %arg8[%run_scoped3A_15, %dma_start3A_66, %dma_start3A_67] : memref<3x100x128xf32, #tpu.memory_space<vmem>> -> memref<1x80x128xf32, #tpu.memory_space<vmem>>
      %dma_start3A_69 = tpu.memref_squeeze %dma_start3A_68 : memref<1x80x128xf32, #tpu.memory_space<vmem>> -> memref<80x128xf32, #tpu.memory_space<vmem>>
      tpu.enqueue_dma source(%dma_start3A_69 : memref<80x128xf32, #tpu.memory_space<vmem>>) target(%dma_start3A_65 : memref<80x128xf32, #tpu.memory_space<vmem_shared>>) target_semaphore(%run_scoped3A_58 : memref<!tpu.dma_semaphore, #tpu.memory_space<semaphore_mem>>)
      %dma_wait3A = arith.constant 0 : i32
      %dma_wait3A_70 = arith.constant 0 : i32
      %dma_wait3A_71 = tpu.memref_slice %arg8[%run_scoped3A_15, %dma_wait3A, %dma_wait3A_70] : memref<3x100x128xf32, #tpu.memory_space<vmem>> -> memref<1x80x128xf32, #tpu.memory_space<vmem>>
      %dma_wait3A_72 = tpu.memref_squeeze %dma_wait3A_71 : memref<1x80x128xf32, #tpu.memory_space<vmem>> -> memref<80x128xf32, #tpu.memory_space<vmem>>
      %dma_wait3A_73 = arith.constant 0 : i32
      %dma_wait3A_74 = tpu.memref_slice %arg9[%add3A_14, %dma_wait3A_73] : memref<10240x128xf32, #tpu.memory_space<vmem_shared>> -> memref<80x128xf32, #tpu.memory_space<vmem_shared>>
      %dma_wait3A_75 = arith.constant 0 : i32
      %dma_wait3A_76 = tpu.memref_slice %arg9[%add3A_14, %dma_wait3A_75] : memref<10240x128xf32, #tpu.memory_space<vmem_shared>> -> memref<80x128xf32, #tpu.memory_space<vmem_shared>>
      %dma_wait3A_77 = arith.constant 0 : i32
      %dma_wait3A_78 = arith.constant 0 : i32
      %dma_wait3A_79 = tpu.memref_slice %arg8[%run_scoped3A_15, %dma_wait3A_77, %dma_wait3A_78] : memref<3x100x128xf32, #tpu.memory_space<vmem>> -> memref<1x80x128xf32, #tpu.memory_space<vmem>>
      %dma_wait3A_80 = tpu.memref_squeeze %dma_wait3A_79 : memref<1x80x128xf32, #tpu.memory_space<vmem>> -> memref<80x128xf32, #tpu.memory_space<vmem>>
      tpu.wait_dma2 semaphore(%run_scoped3A_58 : memref<!tpu.dma_semaphore, #tpu.memory_space<semaphore_mem>>) src(%dma_wait3A_80 : memref<80x128xf32, #tpu.memory_space<vmem>>) dst(%dma_wait3A_76 : memref<80x128xf32, #tpu.memory_space<vmem_shared>>)
      tpu.yield
    }) : () -> ()
    %mul3A_16 = arith.constant 640 : i32
    %mul3A_17 = arith.muli %arg1, %mul3A_16 : i32
    %add3A_18 = arith.constant 160 : i32
    %add3A_19 = arith.addi %mul3A_17, %add3A_18 : i32
    %run_scoped3A_20 = arith.constant 0 : i32
    "tpu.region"() ({
      %run_scoped3A_58 = tpu.sem_alloc : memref<!tpu.dma_semaphore, #tpu.memory_space<semaphore_mem>>
      %dma_start3A = arith.constant 0 : i32
      %dma_start3A_59 = arith.constant 0 : i32
      %dma_start3A_60 = tpu.memref_slice %arg8[%run_scoped3A_20, %dma_start3A, %dma_start3A_59] : memref<3x100x128xf32, #tpu.memory_space<vmem>> -> memref<1x80x128xf32, #tpu.memory_space<vmem>>
      %dma_start3A_61 = tpu.memref_squeeze %dma_start3A_60 : memref<1x80x128xf32, #tpu.memory_space<vmem>> -> memref<80x128xf32, #tpu.memory_space<vmem>>
      %dma_start3A_62 = arith.constant 0 : i32
      %dma_start3A_63 = tpu.memref_slice %arg9[%add3A_19, %dma_start3A_62] : memref<10240x128xf32, #tpu.memory_space<vmem_shared>> -> memref<80x128xf32, #tpu.memory_space<vmem_shared>>
      %dma_start3A_64 = arith.constant 0 : i32
      %dma_start3A_65 = tpu.memref_slice %arg9[%add3A_19, %dma_start3A_64] : memref<10240x128xf32, #tpu.memory_space<vmem_shared>> -> memref<80x128xf32, #tpu.memory_space<vmem_shared>>
      %dma_start3A_66 = arith.constant 0 : i32
      %dma_start3A_67 = arith.constant 0 : i32
      %dma_start3A_68 = tpu.memref_slice %arg8[%run_scoped3A_20, %dma_start3A_66, %dma_start3A_67] : memref<3x100x128xf32, #tpu.memory_space<vmem>> -> memref<1x80x128xf32, #tpu.memory_space<vmem>>
      %dma_start3A_69 = tpu.memref_squeeze %dma_start3A_68 : memref<1x80x128xf32, #tpu.memory_space<vmem>> -> memref<80x128xf32, #tpu.memory_space<vmem>>
      tpu.enqueue_dma source(%dma_start3A_69 : memref<80x128xf32, #tpu.memory_space<vmem>>) target(%dma_start3A_65 : memref<80x128xf32, #tpu.memory_space<vmem_shared>>) target_semaphore(%run_scoped3A_58 : memref<!tpu.dma_semaphore, #tpu.memory_space<semaphore_mem>>)
      %dma_wait3A = arith.constant 0 : i32
      %dma_wait3A_70 = arith.constant 0 : i32
      %dma_wait3A_71 = tpu.memref_slice %arg8[%run_scoped3A_20, %dma_wait3A, %dma_wait3A_70] : memref<3x100x128xf32, #tpu.memory_space<vmem>> -> memref<1x80x128xf32, #tpu.memory_space<vmem>>
      %dma_wait3A_72 = tpu.memref_squeeze %dma_wait3A_71 : memref<1x80x128xf32, #tpu.memory_space<vmem>> -> memref<80x128xf32, #tpu.memory_space<vmem>>
      %dma_wait3A_73 = arith.constant 0 : i32
      %dma_wait3A_74 = tpu.memref_slice %arg9[%add3A_19, %dma_wait3A_73] : memref<10240x128xf32, #tpu.memory_space<vmem_shared>> -> memref<80x128xf32, #tpu.memory_space<vmem_shared>>
      %dma_wait3A_75 = arith.constant 0 : i32
      %dma_wait3A_76 = tpu.memref_slice %arg9[%add3A_19, %dma_wait3A_75] : memref<10240x128xf32, #tpu.memory_space<vmem_shared>> -> memref<80x128xf32, #tpu.memory_space<vmem_shared>>
      %dma_wait3A_77 = arith.constant 0 : i32
      %dma_wait3A_78 = arith.constant 0 : i32
      %dma_wait3A_79 = tpu.memref_slice %arg8[%run_scoped3A_20, %dma_wait3A_77, %dma_wait3A_78] : memref<3x100x128xf32, #tpu.memory_space<vmem>> -> memref<1x80x128xf32, #tpu.memory_space<vmem>>
      %dma_wait3A_80 = tpu.memref_squeeze %dma_wait3A_79 : memref<1x80x128xf32, #tpu.memory_space<vmem>> -> memref<80x128xf32, #tpu.memory_space<vmem>>
      tpu.wait_dma2 semaphore(%run_scoped3A_58 : memref<!tpu.dma_semaphore, #tpu.memory_space<semaphore_mem>>) src(%dma_wait3A_80 : memref<80x128xf32, #tpu.memory_space<vmem>>) dst(%dma_wait3A_76 : memref<80x128xf32, #tpu.memory_space<vmem_shared>>)
      tpu.yield
    }) : () -> ()
    %mul3A_21 = arith.constant 640 : i32
    %mul3A_22 = arith.muli %arg1, %mul3A_21 : i32
    %add3A_23 = arith.constant 240 : i32
    %add3A_24 = arith.addi %mul3A_22, %add3A_23 : i32
    %run_scoped3A_25 = arith.constant 0 : i32
    "tpu.region"() ({
      %run_scoped3A_58 = tpu.sem_alloc : memref<!tpu.dma_semaphore, #tpu.memory_space<semaphore_mem>>
      %dma_start3A = arith.constant 0 : i32
      %dma_start3A_59 = arith.constant 0 : i32
      %dma_start3A_60 = tpu.memref_slice %arg8[%run_scoped3A_25, %dma_start3A, %dma_start3A_59] : memref<3x100x128xf32, #tpu.memory_space<vmem>> -> memref<1x80x128xf32, #tpu.memory_space<vmem>>
      %dma_start3A_61 = tpu.memref_squeeze %dma_start3A_60 : memref<1x80x128xf32, #tpu.memory_space<vmem>> -> memref<80x128xf32, #tpu.memory_space<vmem>>
      %dma_start3A_62 = arith.constant 0 : i32
      %dma_start3A_63 = tpu.memref_slice %arg9[%add3A_24, %dma_start3A_62] : memref<10240x128xf32, #tpu.memory_space<vmem_shared>> -> memref<80x128xf32, #tpu.memory_space<vmem_shared>>
      %dma_start3A_64 = arith.constant 0 : i32
      %dma_start3A_65 = tpu.memref_slice %arg9[%add3A_24, %dma_start3A_64] : memref<10240x128xf32, #tpu.memory_space<vmem_shared>> -> memref<80x128xf32, #tpu.memory_space<vmem_shared>>
      %dma_start3A_66 = arith.constant 0 : i32
      %dma_start3A_67 = arith.constant 0 : i32
      %dma_start3A_68 = tpu.memref_slice %arg8[%run_scoped3A_25, %dma_start3A_66, %dma_start3A_67] : memref<3x100x128xf32, #tpu.memory_space<vmem>> -> memref<1x80x128xf32, #tpu.memory_space<vmem>>
      %dma_start3A_69 = tpu.memref_squeeze %dma_start3A_68 : memref<1x80x128xf32, #tpu.memory_space<vmem>> -> memref<80x128xf32, #tpu.memory_space<vmem>>
      tpu.enqueue_dma source(%dma_start3A_69 : memref<80x128xf32, #tpu.memory_space<vmem>>) target(%dma_start3A_65 : memref<80x128xf32, #tpu.memory_space<vmem_shared>>) target_semaphore(%run_scoped3A_58 : memref<!tpu.dma_semaphore, #tpu.memory_space<semaphore_mem>>)
      %dma_wait3A = arith.constant 0 : i32
      %dma_wait3A_70 = arith.constant 0 : i32
      %dma_wait3A_71 = tpu.memref_slice %arg8[%run_scoped3A_25, %dma_wait3A, %dma_wait3A_70] : memref<3x100x128xf32, #tpu.memory_space<vmem>> -> memref<1x80x128xf32, #tpu.memory_space<vmem>>
      %dma_wait3A_72 = tpu.memref_squeeze %dma_wait3A_71 : memref<1x80x128xf32, #tpu.memory_space<vmem>> -> memref<80x128xf32, #tpu.memory_space<vmem>>
      %dma_wait3A_73 = arith.constant 0 : i32
      %dma_wait3A_74 = tpu.memref_slice %arg9[%add3A_24, %dma_wait3A_73] : memref<10240x128xf32, #tpu.memory_space<vmem_shared>> -> memref<80x128xf32, #tpu.memory_space<vmem_shared>>
      %dma_wait3A_75 = arith.constant 0 : i32
      %dma_wait3A_76 = tpu.memref_slice %arg9[%add3A_24, %dma_wait3A_75] : memref<10240x128xf32, #tpu.memory_space<vmem_shared>> -> memref<80x128xf32, #tpu.memory_space<vmem_shared>>
      %dma_wait3A_77 = arith.constant 0 : i32
      %dma_wait3A_78 = arith.constant 0 : i32
      %dma_wait3A_79 = tpu.memref_slice %arg8[%run_scoped3A_25, %dma_wait3A_77, %dma_wait3A_78] : memref<3x100x128xf32, #tpu.memory_space<vmem>> -> memref<1x80x128xf32, #tpu.memory_space<vmem>>
      %dma_wait3A_80 = tpu.memref_squeeze %dma_wait3A_79 : memref<1x80x128xf32, #tpu.memory_space<vmem>> -> memref<80x128xf32, #tpu.memory_space<vmem>>
      tpu.wait_dma2 semaphore(%run_scoped3A_58 : memref<!tpu.dma_semaphore, #tpu.memory_space<semaphore_mem>>) src(%dma_wait3A_80 : memref<80x128xf32, #tpu.memory_space<vmem>>) dst(%dma_wait3A_76 : memref<80x128xf32, #tpu.memory_space<vmem_shared>>)
      tpu.yield
    }) : () -> ()
    %mul3A_26 = arith.constant 640 : i32
    %mul3A_27 = arith.muli %arg1, %mul3A_26 : i32
    %add3A_28 = arith.constant 320 : i32
    %add3A_29 = arith.addi %mul3A_27, %add3A_28 : i32
    %run_scoped3A_30 = arith.constant 0 : i32
    "tpu.region"() ({
      %run_scoped3A_58 = tpu.sem_alloc : memref<!tpu.dma_semaphore, #tpu.memory_space<semaphore_mem>>
      %dma_start3A = arith.constant 0 : i32
      %dma_start3A_59 = arith.constant 0 : i32
      %dma_start3A_60 = tpu.memref_slice %arg8[%run_scoped3A_30, %dma_start3A, %dma_start3A_59] : memref<3x100x128xf32, #tpu.memory_space<vmem>> -> memref<1x80x128xf32, #tpu.memory_space<vmem>>
      %dma_start3A_61 = tpu.memref_squeeze %dma_start3A_60 : memref<1x80x128xf32, #tpu.memory_space<vmem>> -> memref<80x128xf32, #tpu.memory_space<vmem>>
      %dma_start3A_62 = arith.constant 0 : i32
      %dma_start3A_63 = tpu.memref_slice %arg9[%add3A_29, %dma_start3A_62] : memref<10240x128xf32, #tpu.memory_space<vmem_shared>> -> memref<80x128xf32, #tpu.memory_space<vmem_shared>>
      %dma_start3A_64 = arith.constant 0 : i32
      %dma_start3A_65 = tpu.memref_slice %arg9[%add3A_29, %dma_start3A_64] : memref<10240x128xf32, #tpu.memory_space<vmem_shared>> -> memref<80x128xf32, #tpu.memory_space<vmem_shared>>
      %dma_start3A_66 = arith.constant 0 : i32
      %dma_start3A_67 = arith.constant 0 : i32
      %dma_start3A_68 = tpu.memref_slice %arg8[%run_scoped3A_30, %dma_start3A_66, %dma_start3A_67] : memref<3x100x128xf32, #tpu.memory_space<vmem>> -> memref<1x80x128xf32, #tpu.memory_space<vmem>>
      %dma_start3A_69 = tpu.memref_squeeze %dma_start3A_68 : memref<1x80x128xf32, #tpu.memory_space<vmem>> -> memref<80x128xf32, #tpu.memory_space<vmem>>
      tpu.enqueue_dma source(%dma_start3A_69 : memref<80x128xf32, #tpu.memory_space<vmem>>) target(%dma_start3A_65 : memref<80x128xf32, #tpu.memory_space<vmem_shared>>) target_semaphore(%run_scoped3A_58 : memref<!tpu.dma_semaphore, #tpu.memory_space<semaphore_mem>>)
      %dma_wait3A = arith.constant 0 : i32
      %dma_wait3A_70 = arith.constant 0 : i32
      %dma_wait3A_71 = tpu.memref_slice %arg8[%run_scoped3A_30, %dma_wait3A, %dma_wait3A_70] : memref<3x100x128xf32, #tpu.memory_space<vmem>> -> memref<1x80x128xf32, #tpu.memory_space<vmem>>
      %dma_wait3A_72 = tpu.memref_squeeze %dma_wait3A_71 : memref<1x80x128xf32, #tpu.memory_space<vmem>> -> memref<80x128xf32, #tpu.memory_space<vmem>>
      %dma_wait3A_73 = arith.constant 0 : i32
      %dma_wait3A_74 = tpu.memref_slice %arg9[%add3A_29, %dma_wait3A_73] : memref<10240x128xf32, #tpu.memory_space<vmem_shared>> -> memref<80x128xf32, #tpu.memory_space<vmem_shared>>
      %dma_wait3A_75 = arith.constant 0 : i32
      %dma_wait3A_76 = tpu.memref_slice %arg9[%add3A_29, %dma_wait3A_75] : memref<10240x128xf32, #tpu.memory_space<vmem_shared>> -> memref<80x128xf32, #tpu.memory_space<vmem_shared>>
      %dma_wait3A_77 = arith.constant 0 : i32
      %dma_wait3A_78 = arith.constant 0 : i32
      %dma_wait3A_79 = tpu.memref_slice %arg8[%run_scoped3A_30, %dma_wait3A_77, %dma_wait3A_78] : memref<3x100x128xf32, #tpu.memory_space<vmem>> -> memref<1x80x128xf32, #tpu.memory_space<vmem>>
      %dma_wait3A_80 = tpu.memref_squeeze %dma_wait3A_79 : memref<1x80x128xf32, #tpu.memory_space<vmem>> -> memref<80x128xf32, #tpu.memory_space<vmem>>
      tpu.wait_dma2 semaphore(%run_scoped3A_58 : memref<!tpu.dma_semaphore, #tpu.memory_space<semaphore_mem>>) src(%dma_wait3A_80 : memref<80x128xf32, #tpu.memory_space<vmem>>) dst(%dma_wait3A_76 : memref<80x128xf32, #tpu.memory_space<vmem_shared>>)
      tpu.yield
    }) : () -> ()
    %mul3A_31 = arith.constant 640 : i32
    %mul3A_32 = arith.muli %arg1, %mul3A_31 : i32
    %add3A_33 = arith.constant 400 : i32
    %add3A_34 = arith.addi %mul3A_32, %add3A_33 : i32
    %run_scoped3A_35 = arith.constant 0 : i32
    "tpu.region"() ({
      %run_scoped3A_58 = tpu.sem_alloc : memref<!tpu.dma_semaphore, #tpu.memory_space<semaphore_mem>>
      %dma_start3A = arith.constant 0 : i32
      %dma_start3A_59 = arith.constant 0 : i32
      %dma_start3A_60 = tpu.memref_slice %arg8[%run_scoped3A_35, %dma_start3A, %dma_start3A_59] : memref<3x100x128xf32, #tpu.memory_space<vmem>> -> memref<1x80x128xf32, #tpu.memory_space<vmem>>
      %dma_start3A_61 = tpu.memref_squeeze %dma_start3A_60 : memref<1x80x128xf32, #tpu.memory_space<vmem>> -> memref<80x128xf32, #tpu.memory_space<vmem>>
      %dma_start3A_62 = arith.constant 0 : i32
      %dma_start3A_63 = tpu.memref_slice %arg9[%add3A_34, %dma_start3A_62] : memref<10240x128xf32, #tpu.memory_space<vmem_shared>> -> memref<80x128xf32, #tpu.memory_space<vmem_shared>>
      %dma_start3A_64 = arith.constant 0 : i32
      %dma_start3A_65 = tpu.memref_slice %arg9[%add3A_34, %dma_start3A_64] : memref<10240x128xf32, #tpu.memory_space<vmem_shared>> -> memref<80x128xf32, #tpu.memory_space<vmem_shared>>
      %dma_start3A_66 = arith.constant 0 : i32
      %dma_start3A_67 = arith.constant 0 : i32
      %dma_start3A_68 = tpu.memref_slice %arg8[%run_scoped3A_35, %dma_start3A_66, %dma_start3A_67] : memref<3x100x128xf32, #tpu.memory_space<vmem>> -> memref<1x80x128xf32, #tpu.memory_space<vmem>>
      %dma_start3A_69 = tpu.memref_squeeze %dma_start3A_68 : memref<1x80x128xf32, #tpu.memory_space<vmem>> -> memref<80x128xf32, #tpu.memory_space<vmem>>
      tpu.enqueue_dma source(%dma_start3A_69 : memref<80x128xf32, #tpu.memory_space<vmem>>) target(%dma_start3A_65 : memref<80x128xf32, #tpu.memory_space<vmem_shared>>) target_semaphore(%run_scoped3A_58 : memref<!tpu.dma_semaphore, #tpu.memory_space<semaphore_mem>>)
      %dma_wait3A = arith.constant 0 : i32
      %dma_wait3A_70 = arith.constant 0 : i32
      %dma_wait3A_71 = tpu.memref_slice %arg8[%run_scoped3A_35, %dma_wait3A, %dma_wait3A_70] : memref<3x100x128xf32, #tpu.memory_space<vmem>> -> memref<1x80x128xf32, #tpu.memory_space<vmem>>
      %dma_wait3A_72 = tpu.memref_squeeze %dma_wait3A_71 : memref<1x80x128xf32, #tpu.memory_space<vmem>> -> memref<80x128xf32, #tpu.memory_space<vmem>>
      %dma_wait3A_73 = arith.constant 0 : i32
      %dma_wait3A_74 = tpu.memref_slice %arg9[%add3A_34, %dma_wait3A_73] : memref<10240x128xf32, #tpu.memory_space<vmem_shared>> -> memref<80x128xf32, #tpu.memory_space<vmem_shared>>
      %dma_wait3A_75 = arith.constant 0 : i32
      %dma_wait3A_76 = tpu.memref_slice %arg9[%add3A_34, %dma_wait3A_75] : memref<10240x128xf32, #tpu.memory_space<vmem_shared>> -> memref<80x128xf32, #tpu.memory_space<vmem_shared>>
      %dma_wait3A_77 = arith.constant 0 : i32
      %dma_wait3A_78 = arith.constant 0 : i32
      %dma_wait3A_79 = tpu.memref_slice %arg8[%run_scoped3A_35, %dma_wait3A_77, %dma_wait3A_78] : memref<3x100x128xf32, #tpu.memory_space<vmem>> -> memref<1x80x128xf32, #tpu.memory_space<vmem>>
      %dma_wait3A_80 = tpu.memref_squeeze %dma_wait3A_79 : memref<1x80x128xf32, #tpu.memory_space<vmem>> -> memref<80x128xf32, #tpu.memory_space<vmem>>
      tpu.wait_dma2 semaphore(%run_scoped3A_58 : memref<!tpu.dma_semaphore, #tpu.memory_space<semaphore_mem>>) src(%dma_wait3A_80 : memref<80x128xf32, #tpu.memory_space<vmem>>) dst(%dma_wait3A_76 : memref<80x128xf32, #tpu.memory_space<vmem_shared>>)
      tpu.yield
    }) : () -> ()
    %mul3A_36 = arith.constant 640 : i32
    %mul3A_37 = arith.muli %arg1, %mul3A_36 : i32
    %add3A_38 = arith.constant 480 : i32
    %add3A_39 = arith.addi %mul3A_37, %add3A_38 : i32
    %run_scoped3A_40 = arith.constant 0 : i32
    "tpu.region"() ({
      %run_scoped3A_58 = tpu.sem_alloc : memref<!tpu.dma_semaphore, #tpu.memory_space<semaphore_mem>>
      %dma_start3A = arith.constant 0 : i32
      %dma_start3A_59 = arith.constant 0 : i32
      %dma_start3A_60 = tpu.memref_slice %arg8[%run_scoped3A_40, %dma_start3A, %dma_start3A_59] : memref<3x100x128xf32, #tpu.memory_space<vmem>> -> memref<1x80x128xf32, #tpu.memory_space<vmem>>
      %dma_start3A_61 = tpu.memref_squeeze %dma_start3A_60 : memref<1x80x128xf32, #tpu.memory_space<vmem>> -> memref<80x128xf32, #tpu.memory_space<vmem>>
      %dma_start3A_62 = arith.constant 0 : i32
      %dma_start3A_63 = tpu.memref_slice %arg9[%add3A_39, %dma_start3A_62] : memref<10240x128xf32, #tpu.memory_space<vmem_shared>> -> memref<80x128xf32, #tpu.memory_space<vmem_shared>>
      %dma_start3A_64 = arith.constant 0 : i32
      %dma_start3A_65 = tpu.memref_slice %arg9[%add3A_39, %dma_start3A_64] : memref<10240x128xf32, #tpu.memory_space<vmem_shared>> -> memref<80x128xf32, #tpu.memory_space<vmem_shared>>
      %dma_start3A_66 = arith.constant 0 : i32
      %dma_start3A_67 = arith.constant 0 : i32
      %dma_start3A_68 = tpu.memref_slice %arg8[%run_scoped3A_40, %dma_start3A_66, %dma_start3A_67] : memref<3x100x128xf32, #tpu.memory_space<vmem>> -> memref<1x80x128xf32, #tpu.memory_space<vmem>>
      %dma_start3A_69 = tpu.memref_squeeze %dma_start3A_68 : memref<1x80x128xf32, #tpu.memory_space<vmem>> -> memref<80x128xf32, #tpu.memory_space<vmem>>
      tpu.enqueue_dma source(%dma_start3A_69 : memref<80x128xf32, #tpu.memory_space<vmem>>) target(%dma_start3A_65 : memref<80x128xf32, #tpu.memory_space<vmem_shared>>) target_semaphore(%run_scoped3A_58 : memref<!tpu.dma_semaphore, #tpu.memory_space<semaphore_mem>>)
      %dma_wait3A = arith.constant 0 : i32
      %dma_wait3A_70 = arith.constant 0 : i32
      %dma_wait3A_71 = tpu.memref_slice %arg8[%run_scoped3A_40, %dma_wait3A, %dma_wait3A_70] : memref<3x100x128xf32, #tpu.memory_space<vmem>> -> memref<1x80x128xf32, #tpu.memory_space<vmem>>
      %dma_wait3A_72 = tpu.memref_squeeze %dma_wait3A_71 : memref<1x80x128xf32, #tpu.memory_space<vmem>> -> memref<80x128xf32, #tpu.memory_space<vmem>>
      %dma_wait3A_73 = arith.constant 0 : i32
      %dma_wait3A_74 = tpu.memref_slice %arg9[%add3A_39, %dma_wait3A_73] : memref<10240x128xf32, #tpu.memory_space<vmem_shared>> -> memref<80x128xf32, #tpu.memory_space<vmem_shared>>
      %dma_wait3A_75 = arith.constant 0 : i32
      %dma_wait3A_76 = tpu.memref_slice %arg9[%add3A_39, %dma_wait3A_75] : memref<10240x128xf32, #tpu.memory_space<vmem_shared>> -> memref<80x128xf32, #tpu.memory_space<vmem_shared>>
      %dma_wait3A_77 = arith.constant 0 : i32
      %dma_wait3A_78 = arith.constant 0 : i32
      %dma_wait3A_79 = tpu.memref_slice %arg8[%run_scoped3A_40, %dma_wait3A_77, %dma_wait3A_78] : memref<3x100x128xf32, #tpu.memory_space<vmem>> -> memref<1x80x128xf32, #tpu.memory_space<vmem>>
      %dma_wait3A_80 = tpu.memref_squeeze %dma_wait3A_79 : memref<1x80x128xf32, #tpu.memory_space<vmem>> -> memref<80x128xf32, #tpu.memory_space<vmem>>
      tpu.wait_dma2 semaphore(%run_scoped3A_58 : memref<!tpu.dma_semaphore, #tpu.memory_space<semaphore_mem>>) src(%dma_wait3A_80 : memref<80x128xf32, #tpu.memory_space<vmem>>) dst(%dma_wait3A_76 : memref<80x128xf32, #tpu.memory_space<vmem_shared>>)
      tpu.yield
    }) : () -> ()
    %mul3A_41 = arith.constant 640 : i32
    %mul3A_42 = arith.muli %arg1, %mul3A_41 : i32
    %add3A_43 = arith.constant 560 : i32
    %add3A_44 = arith.addi %mul3A_42, %add3A_43 : i32
    %run_scoped3A_45 = arith.constant 0 : i32
    "tpu.region"() ({
      %run_scoped3A_58 = tpu.sem_alloc : memref<!tpu.dma_semaphore, #tpu.memory_space<semaphore_mem>>
      %dma_start3A = arith.constant 0 : i32
      %dma_start3A_59 = arith.constant 0 : i32
      %dma_start3A_60 = tpu.memref_slice %arg8[%run_scoped3A_45, %dma_start3A, %dma_start3A_59] : memref<3x100x128xf32, #tpu.memory_space<vmem>> -> memref<1x80x128xf32, #tpu.memory_space<vmem>>
      %dma_start3A_61 = tpu.memref_squeeze %dma_start3A_60 : memref<1x80x128xf32, #tpu.memory_space<vmem>> -> memref<80x128xf32, #tpu.memory_space<vmem>>
      %dma_start3A_62 = arith.constant 0 : i32
      %dma_start3A_63 = tpu.memref_slice %arg9[%add3A_44, %dma_start3A_62] : memref<10240x128xf32, #tpu.memory_space<vmem_shared>> -> memref<80x128xf32, #tpu.memory_space<vmem_shared>>
      %dma_start3A_64 = arith.constant 0 : i32
      %dma_start3A_65 = tpu.memref_slice %arg9[%add3A_44, %dma_start3A_64] : memref<10240x128xf32, #tpu.memory_space<vmem_shared>> -> memref<80x128xf32, #tpu.memory_space<vmem_shared>>
      %dma_start3A_66 = arith.constant 0 : i32
      %dma_start3A_67 = arith.constant 0 : i32
      %dma_start3A_68 = tpu.memref_slice %arg8[%run_scoped3A_45, %dma_start3A_66, %dma_start3A_67] : memref<3x100x128xf32, #tpu.memory_space<vmem>> -> memref<1x80x128xf32, #tpu.memory_space<vmem>>
      %dma_start3A_69 = tpu.memref_squeeze %dma_start3A_68 : memref<1x80x128xf32, #tpu.memory_space<vmem>> -> memref<80x128xf32, #tpu.memory_space<vmem>>
      tpu.enqueue_dma source(%dma_start3A_69 : memref<80x128xf32, #tpu.memory_space<vmem>>) target(%dma_start3A_65 : memref<80x128xf32, #tpu.memory_space<vmem_shared>>) target_semaphore(%run_scoped3A_58 : memref<!tpu.dma_semaphore, #tpu.memory_space<semaphore_mem>>)
      %dma_wait3A = arith.constant 0 : i32
      %dma_wait3A_70 = arith.constant 0 : i32
      %dma_wait3A_71 = tpu.memref_slice %arg8[%run_scoped3A_45, %dma_wait3A, %dma_wait3A_70] : memref<3x100x128xf32, #tpu.memory_space<vmem>> -> memref<1x80x128xf32, #tpu.memory_space<vmem>>
      %dma_wait3A_72 = tpu.memref_squeeze %dma_wait3A_71 : memref<1x80x128xf32, #tpu.memory_space<vmem>> -> memref<80x128xf32, #tpu.memory_space<vmem>>
      %dma_wait3A_73 = arith.constant 0 : i32
      %dma_wait3A_74 = tpu.memref_slice %arg9[%add3A_44, %dma_wait3A_73] : memref<10240x128xf32, #tpu.memory_space<vmem_shared>> -> memref<80x128xf32, #tpu.memory_space<vmem_shared>>
      %dma_wait3A_75 = arith.constant 0 : i32
      %dma_wait3A_76 = tpu.memref_slice %arg9[%add3A_44, %dma_wait3A_75] : memref<10240x128xf32, #tpu.memory_space<vmem_shared>> -> memref<80x128xf32, #tpu.memory_space<vmem_shared>>
      %dma_wait3A_77 = arith.constant 0 : i32
      %dma_wait3A_78 = arith.constant 0 : i32
      %dma_wait3A_79 = tpu.memref_slice %arg8[%run_scoped3A_45, %dma_wait3A_77, %dma_wait3A_78] : memref<3x100x128xf32, #tpu.memory_space<vmem>> -> memref<1x80x128xf32, #tpu.memory_space<vmem>>
      %dma_wait3A_80 = tpu.memref_squeeze %dma_wait3A_79 : memref<1x80x128xf32, #tpu.memory_space<vmem>> -> memref<80x128xf32, #tpu.memory_space<vmem>>
      tpu.wait_dma2 semaphore(%run_scoped3A_58 : memref<!tpu.dma_semaphore, #tpu.memory_space<semaphore_mem>>) src(%dma_wait3A_80 : memref<80x128xf32, #tpu.memory_space<vmem>>) dst(%dma_wait3A_76 : memref<80x128xf32, #tpu.memory_space<vmem_shared>>)
      tpu.yield
    }) : () -> ()
    %barrier3A = arith.constant 0 : index
    tpu.barrier barrier_id(%barrier3A)
    %scan3A_46 = arith.constant 0 : i32
    %scan3A_47 = arith.constant 0 : i32
    %scan3A_48 = arith.constant 4 : i32
    %scan3A_49 = arith.addi %scan3A_47, %scan3A_48 : i32
    %scan3A_50 = arith.constant 1 : i32
    %scan3A_51 = scf.for %scan3A_58 = %scan3A_47 to %scan3A_49 step %scan3A_50 iter_args(%scan3A_59 = %scan3A_46) -> (i32)  : i32 {
      "tpu.region"() ({
        %run_scoped3A_103 = tpu.sem_alloc : memref<!tpu.dma_semaphore, #tpu.memory_space<semaphore_mem>>
        %dma_start3A_104 = arith.constant 0 : i32
        %dma_start3A_105 = arith.constant 0 : i32
        %dma_start3A_106 = tpu.memref_slice %arg3[%add3A, %scan3A_58, %dma_start3A_104, %dma_start3A_105] : memref<32x4x25x100xi32, #tpu.memory_space<hbm>> -> memref<1x1x25x100xi32, #tpu.memory_space<hbm>>
        %dma_start3A_107 = tpu.memref_squeeze %dma_start3A_106 : memref<1x1x25x100xi32, #tpu.memory_space<hbm>> -> memref<25x100xi32, #tpu.memory_space<hbm>>
        %dma_start3A_108 = arith.constant 0 : i32
        %dma_start3A_109 = arith.constant 0 : i32
        %dma_start3A_110 = tpu.memref_slice %arg3[%add3A, %scan3A_58, %dma_start3A_108, %dma_start3A_109] : memref<32x4x25x100xi32, #tpu.memory_space<hbm>> -> memref<1x1x25x100xi32, #tpu.memory_space<hbm>>
        %dma_start3A_111 = tpu.memref_squeeze %dma_start3A_110 : memref<1x1x25x100xi32, #tpu.memory_space<hbm>> -> memref<25x100xi32, #tpu.memory_space<hbm>>
        tpu.enqueue_dma source(%dma_start3A_111 : memref<25x100xi32, #tpu.memory_space<hbm>>) target(%arg6 : memref<25x100xi32, #tpu.memory_space<vmem>>) target_semaphore(%run_scoped3A_103 : memref<!tpu.dma_semaphore, #tpu.memory_space<semaphore_mem>>)
        %dma_wait3A_112 = arith.constant 0 : i32
        %dma_wait3A_113 = arith.constant 0 : i32
        %dma_wait3A_114 = tpu.memref_slice %arg3[%add3A, %scan3A_58, %dma_wait3A_112, %dma_wait3A_113] : memref<32x4x25x100xi32, #tpu.memory_space<hbm>> -> memref<1x1x25x100xi32, #tpu.memory_space<hbm>>
        %dma_wait3A_115 = tpu.memref_squeeze %dma_wait3A_114 : memref<1x1x25x100xi32, #tpu.memory_space<hbm>> -> memref<25x100xi32, #tpu.memory_space<hbm>>
        %dma_wait3A_116 = arith.constant 0 : i32
        %dma_wait3A_117 = arith.constant 0 : i32
        %dma_wait3A_118 = tpu.memref_slice %arg3[%add3A, %scan3A_58, %dma_wait3A_116, %dma_wait3A_117] : memref<32x4x25x100xi32, #tpu.memory_space<hbm>> -> memref<1x1x25x100xi32, #tpu.memory_space<hbm>>
        %dma_wait3A_119 = tpu.memref_squeeze %dma_wait3A_118 : memref<1x1x25x100xi32, #tpu.memory_space<hbm>> -> memref<25x100xi32, #tpu.memory_space<hbm>>
        tpu.wait_dma2 semaphore(%run_scoped3A_103 : memref<!tpu.dma_semaphore, #tpu.memory_space<semaphore_mem>>) src(%dma_wait3A_119 : memref<25x100xi32, #tpu.memory_space<hbm>>) dst(%arg6 : memref<25x100xi32, #tpu.memory_space<vmem>>)
        tpu.yield
      }) : () -> ()
      "tpu.region"() ({
        %run_scoped3A_103 = tpu.sem_alloc : memref<!tpu.dma_semaphore, #tpu.memory_space<semaphore_mem>>
        %dma_start3A_104 = arith.constant 0 : i32
        %dma_start3A_105 = arith.constant 0 : i32
        %dma_start3A_106 = tpu.memref_slice %arg4[%add3A, %scan3A_58, %dma_start3A_104, %dma_start3A_105] : memref<32x4x25x100xi32, #tpu.memory_space<hbm>> -> memref<1x1x25x100xi32, #tpu.memory_space<hbm>>
        %dma_start3A_107 = tpu.memref_squeeze %dma_start3A_106 : memref<1x1x25x100xi32, #tpu.memory_space<hbm>> -> memref<25x100xi32, #tpu.memory_space<hbm>>
        %dma_start3A_108 = arith.constant 0 : i32
        %dma_start3A_109 = arith.constant 0 : i32
        %dma_start3A_110 = tpu.memref_slice %arg4[%add3A, %scan3A_58, %dma_start3A_108, %dma_start3A_109] : memref<32x4x25x100xi32, #tpu.memory_space<hbm>> -> memref<1x1x25x100xi32, #tpu.memory_space<hbm>>
        %dma_start3A_111 = tpu.memref_squeeze %dma_start3A_110 : memref<1x1x25x100xi32, #tpu.memory_space<hbm>> -> memref<25x100xi32, #tpu.memory_space<hbm>>
        tpu.enqueue_dma source(%dma_start3A_111 : memref<25x100xi32, #tpu.memory_space<hbm>>) target(%arg7 : memref<25x100xi32, #tpu.memory_space<vmem>>) target_semaphore(%run_scoped3A_103 : memref<!tpu.dma_semaphore, #tpu.memory_space<semaphore_mem>>)
        %dma_wait3A_112 = arith.constant 0 : i32
        %dma_wait3A_113 = arith.constant 0 : i32
        %dma_wait3A_114 = tpu.memref_slice %arg4[%add3A, %scan3A_58, %dma_wait3A_112, %dma_wait3A_113] : memref<32x4x25x100xi32, #tpu.memory_space<hbm>> -> memref<1x1x25x100xi32, #tpu.memory_space<hbm>>
        %dma_wait3A_115 = tpu.memref_squeeze %dma_wait3A_114 : memref<1x1x25x100xi32, #tpu.memory_space<hbm>> -> memref<25x100xi32, #tpu.memory_space<hbm>>
        %dma_wait3A_116 = arith.constant 0 : i32
        %dma_wait3A_117 = arith.constant 0 : i32
        %dma_wait3A_118 = tpu.memref_slice %arg4[%add3A, %scan3A_58, %dma_wait3A_116, %dma_wait3A_117] : memref<32x4x25x100xi32, #tpu.memory_space<hbm>> -> memref<1x1x25x100xi32, #tpu.memory_space<hbm>>
        %dma_wait3A_119 = tpu.memref_squeeze %dma_wait3A_118 : memref<1x1x25x100xi32, #tpu.memory_space<hbm>> -> memref<25x100xi32, #tpu.memory_space<hbm>>
        tpu.wait_dma2 semaphore(%run_scoped3A_103 : memref<!tpu.dma_semaphore, #tpu.memory_space<semaphore_mem>>) src(%dma_wait3A_119 : memref<25x100xi32, #tpu.memory_space<hbm>>) dst(%arg7 : memref<25x100xi32, #tpu.memory_space<vmem>>)
        tpu.yield
      }) : () -> ()
      %dma_start3A = arith.constant 0 : i32
      %dma_start3A_60 = arith.constant 0 : i32
      %dma_start3A_61 = arith.constant 0 : i32
      %dma_start3A_62 = arith.constant 0 : i32
      %dma_start3A_63 = tpu.memref_slice %arg8[%dma_start3A_60, %dma_start3A_61, %dma_start3A_62] : memref<3x100x128xf32, #tpu.memory_space<vmem>> -> memref<1x100x128xf32, #tpu.memory_space<vmem>>
      %dma_start3A_64 = tpu.memref_squeeze %dma_start3A_63 : memref<1x100x128xf32, #tpu.memory_space<vmem>> -> memref<100x128xf32, #tpu.memory_space<vmem>>
      %dma_start3A_65 = arith.constant 0 : i32
      %dma_start3A_66 = tpu.memref_slice %arg6[%dma_start3A, %dma_start3A_65] : memref<25x100xi32, #tpu.memory_space<vmem>> -> memref<1x100xi32, #tpu.memory_space<vmem>>
      %dma_start3A_67 = tpu.memref_squeeze %dma_start3A_66 : memref<1x100xi32, #tpu.memory_space<vmem>> -> memref<100xi32, #tpu.memory_space<vmem>>
      %dma_start3A_68 = arith.constant 0 : i32
      %dma_start3A_69 = arith.constant 0 : i32
      %dma_start3A_70 = tpu.memref_slice %arg2[%dma_start3A_68, %dma_start3A_69] : memref<10000x128xf32, #tpu.memory_space<hbm>> -> memref<10000x128xf32, #tpu.memory_space<hbm>>
      tpu.enqueue_indirect_dma source(%dma_start3A_70 : memref<10000x128xf32, #tpu.memory_space<hbm>>) target(%dma_start3A_64 : memref<100x128xf32, #tpu.memory_space<vmem>>) offsets(%dma_start3A_67 : memref<100xi32, #tpu.memory_space<vmem>>) semaphore(%arg10 : memref<!tpu.dma_semaphore, #tpu.memory_space<semaphore_mem>>)
      %dma_start3A_71 = arith.constant 1 : i32
      %dma_start3A_72 = arith.constant 1 : i32
      %dma_start3A_73 = arith.constant 0 : i32
      %dma_start3A_74 = arith.constant 0 : i32
      %dma_start3A_75 = tpu.memref_slice %arg8[%dma_start3A_72, %dma_start3A_73, %dma_start3A_74] : memref<3x100x128xf32, #tpu.memory_space<vmem>> -> memref<1x100x128xf32, #tpu.memory_space<vmem>>
      %dma_start3A_76 = tpu.memref_squeeze %dma_start3A_75 : memref<1x100x128xf32, #tpu.memory_space<vmem>> -> memref<100x128xf32, #tpu.memory_space<vmem>>
      %dma_start3A_77 = arith.constant 0 : i32
      %dma_start3A_78 = tpu.memref_slice %arg6[%dma_start3A_71, %dma_start3A_77] : memref<25x100xi32, #tpu.memory_space<vmem>> -> memref<1x100xi32, #tpu.memory_space<vmem>>
      %dma_start3A_79 = tpu.memref_squeeze %dma_start3A_78 : memref<1x100xi32, #tpu.memory_space<vmem>> -> memref<100xi32, #tpu.memory_space<vmem>>
      %dma_start3A_80 = arith.constant 0 : i32
      %dma_start3A_81 = arith.constant 0 : i32
      %dma_start3A_82 = tpu.memref_slice %arg2[%dma_start3A_80, %dma_start3A_81] : memref<10000x128xf32, #tpu.memory_space<hbm>> -> memref<10000x128xf32, #tpu.memory_space<hbm>>
      tpu.enqueue_indirect_dma source(%dma_start3A_82 : memref<10000x128xf32, #tpu.memory_space<hbm>>) target(%dma_start3A_76 : memref<100x128xf32, #tpu.memory_space<vmem>>) offsets(%dma_start3A_79 : memref<100xi32, #tpu.memory_space<vmem>>) semaphore(%arg10 : memref<!tpu.dma_semaphore, #tpu.memory_space<semaphore_mem>>)
      %scan3A_83 = arith.constant 0 : i32
      %scan3A_84 = arith.constant 0 : i32
      %scan3A_85 = arith.constant 25 : i32
      %scan3A_86 = arith.addi %scan3A_84, %scan3A_85 : i32
      %scan3A_87 = arith.constant 1 : i32
      %scan3A_88 = scf.for %scan3A_103 = %scan3A_84 to %scan3A_86 step %scan3A_87 iter_args(%scan3A_104 = %scan3A_83) -> (i32)  : i32 {
        %rem3A_105 = arith.constant 3 : i32
        %rem3A_106 = arith.remsi %scan3A_103, %rem3A_105 : i32
        %dma_wait3A_107 = arith.constant 0 : i32
        %dma_wait3A_108 = arith.constant 0 : i32
        %dma_wait3A_109 = tpu.memref_slice %arg8[%rem3A_106, %dma_wait3A_107, %dma_wait3A_108] : memref<3x100x128xf32, #tpu.memory_space<vmem>> -> memref<1x100x128xf32, #tpu.memory_space<vmem>>
        %dma_wait3A_110 = tpu.memref_squeeze %dma_wait3A_109 : memref<1x100x128xf32, #tpu.memory_space<vmem>> -> memref<100x128xf32, #tpu.memory_space<vmem>>
        %dma_wait3A_111 = arith.constant 0 : i32
        %dma_wait3A_112 = tpu.memref_slice %arg6[%scan3A_103, %dma_wait3A_111] : memref<25x100xi32, #tpu.memory_space<vmem>> -> memref<1x100xi32, #tpu.memory_space<vmem>>
        %dma_wait3A_113 = tpu.memref_squeeze %dma_wait3A_112 : memref<1x100xi32, #tpu.memory_space<vmem>> -> memref<100xi32, #tpu.memory_space<vmem>>
        %dma_wait3A_114 = arith.constant 0 : i32
        %dma_wait3A_115 = arith.constant 0 : i32
        %dma_wait3A_116 = tpu.memref_slice %arg2[%dma_wait3A_114, %dma_wait3A_115] : memref<10000x128xf32, #tpu.memory_space<hbm>> -> memref<10000x128xf32, #tpu.memory_space<hbm>>
        tpu.wait_indirect_dma semaphore(%arg10 : memref<!tpu.dma_semaphore, #tpu.memory_space<semaphore_mem>>) src(%dma_wait3A_116 : memref<10000x128xf32, #tpu.memory_space<hbm>>) dst(%dma_wait3A_110 : memref<100x128xf32, #tpu.memory_space<vmem>>)
        %ge3A = arith.constant 1 : i32
        %ge3A_117 = arith.cmpi sge, %scan3A_103, %ge3A : i32
        %convert_element_type3A = arith.extui %ge3A_117 : i1 to i32
        %cond3A = arith.constant 0 : i32
        %cond3A_118 = arith.cmpi ne, %convert_element_type3A, %cond3A : i32
        scf.if %cond3A_118 {
          %add3A_136 = arith.constant 2 : i32
          %add3A_137 = arith.addi %scan3A_103, %add3A_136 : i32
          %rem3A_138 = arith.constant 3 : i32
          %rem3A_139 = arith.remsi %add3A_137, %rem3A_138 : i32
          %sub3A = arith.constant 1 : i32
          %sub3A_140 = arith.subi %scan3A_103, %sub3A : i32
          %dma_wait3A_141 = arith.constant 0 : i32
          %dma_wait3A_142 = arith.constant 0 : i32
          %dma_wait3A_143 = tpu.memref_slice %arg8[%rem3A_139, %dma_wait3A_141, %dma_wait3A_142] : memref<3x100x128xf32, #tpu.memory_space<vmem>> -> memref<1x100x128xf32, #tpu.memory_space<vmem>>
          %dma_wait3A_144 = tpu.memref_squeeze %dma_wait3A_143 : memref<1x100x128xf32, #tpu.memory_space<vmem>> -> memref<100x128xf32, #tpu.memory_space<vmem>>
          %dma_wait3A_145 = arith.constant 0 : i32
          %dma_wait3A_146 = tpu.memref_slice %arg7[%sub3A_140, %dma_wait3A_145] : memref<25x100xi32, #tpu.memory_space<vmem>> -> memref<1x100xi32, #tpu.memory_space<vmem>>
          %dma_wait3A_147 = tpu.memref_squeeze %dma_wait3A_146 : memref<1x100xi32, #tpu.memory_space<vmem>> -> memref<100xi32, #tpu.memory_space<vmem>>
          %dma_wait3A_148 = arith.constant 0 : i32
          %dma_wait3A_149 = arith.constant 0 : i32
          %dma_wait3A_150 = tpu.memref_slice %arg9[%dma_wait3A_148, %dma_wait3A_149] : memref<10240x128xf32, #tpu.memory_space<vmem_shared>> -> memref<10240x128xf32, #tpu.memory_space<vmem_shared>>
          tpu.wait_indirect_dma semaphore(%arg11 : memref<!tpu.dma_semaphore, #tpu.memory_space<semaphore_mem>>) src(%dma_wait3A_144 : memref<100x128xf32, #tpu.memory_space<vmem>>) dst(%dma_wait3A_150 : memref<10240x128xf32, #tpu.memory_space<vmem_shared>>)
        } else {
        }
        %add3A_119 = arith.constant 2 : i32
        %add3A_120 = arith.addi %scan3A_103, %add3A_119 : i32
        %lt3A = arith.constant 25 : i32
        %lt3A_121 = arith.cmpi slt, %add3A_120, %lt3A : i32
        %convert_element_type3A_122 = arith.extui %lt3A_121 : i1 to i32
        %cond3A_123 = arith.constant 0 : i32
        %cond3A_124 = arith.cmpi ne, %convert_element_type3A_122, %cond3A_123 : i32
        scf.if %cond3A_124 {
          %add3A_136 = arith.constant 2 : i32
          %add3A_137 = arith.addi %scan3A_103, %add3A_136 : i32
          %add3A_138 = arith.constant 2 : i32
          %add3A_139 = arith.addi %scan3A_103, %add3A_138 : i32
          %rem3A_140 = arith.constant 3 : i32
          %rem3A_141 = arith.remsi %add3A_139, %rem3A_140 : i32
          %dma_start3A_142 = arith.constant 0 : i32
          %dma_start3A_143 = arith.constant 0 : i32
          %dma_start3A_144 = tpu.memref_slice %arg8[%rem3A_141, %dma_start3A_142, %dma_start3A_143] : memref<3x100x128xf32, #tpu.memory_space<vmem>> -> memref<1x100x128xf32, #tpu.memory_space<vmem>>
          %dma_start3A_145 = tpu.memref_squeeze %dma_start3A_144 : memref<1x100x128xf32, #tpu.memory_space<vmem>> -> memref<100x128xf32, #tpu.memory_space<vmem>>
          %dma_start3A_146 = arith.constant 0 : i32
          %dma_start3A_147 = tpu.memref_slice %arg6[%add3A_137, %dma_start3A_146] : memref<25x100xi32, #tpu.memory_space<vmem>> -> memref<1x100xi32, #tpu.memory_space<vmem>>
          %dma_start3A_148 = tpu.memref_squeeze %dma_start3A_147 : memref<1x100xi32, #tpu.memory_space<vmem>> -> memref<100xi32, #tpu.memory_space<vmem>>
          %dma_start3A_149 = arith.constant 0 : i32
          %dma_start3A_150 = arith.constant 0 : i32
          %dma_start3A_151 = tpu.memref_slice %arg2[%dma_start3A_149, %dma_start3A_150] : memref<10000x128xf32, #tpu.memory_space<hbm>> -> memref<10000x128xf32, #tpu.memory_space<hbm>>
          tpu.enqueue_indirect_dma source(%dma_start3A_151 : memref<10000x128xf32, #tpu.memory_space<hbm>>) target(%dma_start3A_145 : memref<100x128xf32, #tpu.memory_space<vmem>>) offsets(%dma_start3A_148 : memref<100xi32, #tpu.memory_space<vmem>>) semaphore(%arg10 : memref<!tpu.dma_semaphore, #tpu.memory_space<semaphore_mem>>)
        } else {
        }
        %dma_start3A_125 = arith.constant 0 : i32
        %dma_start3A_126 = arith.constant 0 : i32
        %dma_start3A_127 = tpu.memref_slice %arg8[%rem3A_106, %dma_start3A_125, %dma_start3A_126] : memref<3x100x128xf32, #tpu.memory_space<vmem>> -> memref<1x100x128xf32, #tpu.memory_space<vmem>>
        %dma_start3A_128 = tpu.memref_squeeze %dma_start3A_127 : memref<1x100x128xf32, #tpu.memory_space<vmem>> -> memref<100x128xf32, #tpu.memory_space<vmem>>
        %dma_start3A_129 = arith.constant 0 : i32
        %dma_start3A_130 = tpu.memref_slice %arg7[%scan3A_103, %dma_start3A_129] : memref<25x100xi32, #tpu.memory_space<vmem>> -> memref<1x100xi32, #tpu.memory_space<vmem>>
        %dma_start3A_131 = tpu.memref_squeeze %dma_start3A_130 : memref<1x100xi32, #tpu.memory_space<vmem>> -> memref<100xi32, #tpu.memory_space<vmem>>
        %dma_start3A_132 = arith.constant 0 : i32
        %dma_start3A_133 = arith.constant 0 : i32
        %dma_start3A_134 = tpu.memref_slice %arg9[%dma_start3A_132, %dma_start3A_133] : memref<10240x128xf32, #tpu.memory_space<vmem_shared>> -> memref<10240x128xf32, #tpu.memory_space<vmem_shared>>
        tpu.enqueue_indirect_dma source(%dma_start3A_128 : memref<100x128xf32, #tpu.memory_space<vmem>>) target(%dma_start3A_134 : memref<10240x128xf32, #tpu.memory_space<vmem_shared>>) offsets(%dma_start3A_131 : memref<100xi32, #tpu.memory_space<vmem>>) semaphore(%arg11 : memref<!tpu.dma_semaphore, #tpu.memory_space<semaphore_mem>>) {add = true}
        %scan3A_135 = arith.constant 0 : i32
        scf.yield %scan3A_135 : i32
      }
      %scan3A_89 = arith.constant 25 : i32
      %rem3A = arith.constant 24 : i32
      %rem3A_90 = arith.constant 3 : i32
      %rem3A_91 = arith.remsi %rem3A, %rem3A_90 : i32
      %dma_wait3A = arith.constant 24 : i32
      %dma_wait3A_92 = arith.constant 0 : i32
      %dma_wait3A_93 = arith.constant 0 : i32
      %dma_wait3A_94 = tpu.memref_slice %arg8[%rem3A_91, %dma_wait3A_92, %dma_wait3A_93] : memref<3x100x128xf32, #tpu.memory_space<vmem>> -> memref<1x100x128xf32, #tpu.memory_space<vmem>>
      %dma_wait3A_95 = tpu.memref_squeeze %dma_wait3A_94 : memref<1x100x128xf32, #tpu.memory_space<vmem>> -> memref<100x128xf32, #tpu.memory_space<vmem>>
      %dma_wait3A_96 = arith.constant 0 : i32
      %dma_wait3A_97 = tpu.memref_slice %arg7[%dma_wait3A, %dma_wait3A_96] : memref<25x100xi32, #tpu.memory_space<vmem>> -> memref<1x100xi32, #tpu.memory_space<vmem>>
      %dma_wait3A_98 = tpu.memref_squeeze %dma_wait3A_97 : memref<1x100xi32, #tpu.memory_space<vmem>> -> memref<100xi32, #tpu.memory_space<vmem>>
      %dma_wait3A_99 = arith.constant 0 : i32
      %dma_wait3A_100 = arith.constant 0 : i32
      %dma_wait3A_101 = tpu.memref_slice %arg9[%dma_wait3A_99, %dma_wait3A_100] : memref<10240x128xf32, #tpu.memory_space<vmem_shared>> -> memref<10240x128xf32, #tpu.memory_space<vmem_shared>>
      tpu.wait_indirect_dma semaphore(%arg11 : memref<!tpu.dma_semaphore, #tpu.memory_space<semaphore_mem>>) src(%dma_wait3A_95 : memref<100x128xf32, #tpu.memory_space<vmem>>) dst(%dma_wait3A_101 : memref<10240x128xf32, #tpu.memory_space<vmem_shared>>)
      %scan3A_102 = arith.constant 0 : i32
      scf.yield %scan3A_102 : i32
    }
    %scan3A_52 = arith.constant 4 : i32
    %barrier3A_53 = arith.constant 0 : index
    tpu.barrier barrier_id(%barrier3A_53)
    %mul3A_54 = arith.constant 640 : i32
    %mul3A_55 = arith.muli %arg1, %mul3A_54 : i32
    %mul3A_56 = arith.constant 640 : i32
    %mul3A_57 = arith.muli %arg1, %mul3A_56 : i32
    "tpu.region"() ({
      %run_scoped3A_58 = tpu.sem_alloc : memref<!tpu.dma_semaphore, #tpu.memory_space<semaphore_mem>>
      %dma_start3A = arith.constant 0 : i32
      %dma_start3A_59 = tpu.memref_slice %arg5[%arg0, %mul3A_57, %dma_start3A] : memref<2x10240x128xf32, #tpu.memory_space<hbm>> -> memref<1x640x128xf32, #tpu.memory_space<hbm>>
      %dma_start3A_60 = tpu.memref_squeeze %dma_start3A_59 : memref<1x640x128xf32, #tpu.memory_space<hbm>> -> memref<640x128xf32, #tpu.memory_space<hbm>>
      %dma_start3A_61 = arith.constant 0 : i32
      %dma_start3A_62 = tpu.memref_slice %arg9[%mul3A_55, %dma_start3A_61] : memref<10240x128xf32, #tpu.memory_space<vmem_shared>> -> memref<640x128xf32, #tpu.memory_space<vmem_shared>>
      tpu.enqueue_dma source(%dma_start3A_62 : memref<640x128xf32, #tpu.memory_space<vmem_shared>>) target(%dma_start3A_60 : memref<640x128xf32, #tpu.memory_space<hbm>>) target_semaphore(%run_scoped3A_58 : memref<!tpu.dma_semaphore, #tpu.memory_space<semaphore_mem>>)
      %dma_wait3A = arith.constant 0 : i32
      %dma_wait3A_63 = tpu.memref_slice %arg5[%arg0, %mul3A_57, %dma_wait3A] : memref<2x10240x128xf32, #tpu.memory_space<hbm>> -> memref<1x640x128xf32, #tpu.memory_space<hbm>>
      %dma_wait3A_64 = tpu.memref_squeeze %dma_wait3A_63 : memref<1x640x128xf32, #tpu.memory_space<hbm>> -> memref<640x128xf32, #tpu.memory_space<hbm>>
      %dma_wait3A_65 = arith.constant 0 : i32
      %dma_wait3A_66 = tpu.memref_slice %arg9[%mul3A_55, %dma_wait3A_65] : memref<10240x128xf32, #tpu.memory_space<vmem_shared>> -> memref<640x128xf32, #tpu.memory_space<vmem_shared>>
      tpu.wait_dma2 semaphore(%run_scoped3A_58 : memref<!tpu.dma_semaphore, #tpu.memory_space<semaphore_mem>>) src(%dma_wait3A_66 : memref<640x128xf32, #tpu.memory_space<vmem_shared>>) dst(%dma_wait3A_64 : memref<640x128xf32, #tpu.memory_space<hbm>>)
      tpu.yield
    }) : () -> ()
    return
  }
}

module attributes {stable_mosaic.version = 14 : i64} {
  func.func @body(%arg0: i32, %arg1: memref<1000x128xf32, #tpu.memory_space<vmem>>, %arg2: memref<128x128xf32, #tpu.memory_space<vmem>>, %arg3: memref<1x1000x1xf32, #tpu.memory_space<vmem>>, %arg4: memref<1x1000x1xf32, #tpu.memory_space<vmem>>, %arg5: memref<1000x128xf32, #tpu.memory_space<vmem>>) attributes {dimension_semantics = [#tpu.dimension_semantics<arbitrary>], iteration_bounds = array<i64: 10>, scalar_prefetch = 0 : i64, scratch_operands = 0 : i64, tpu.core_type = #tpu.core_type<tc>, window_params = [{transform_indices = @transform_0, window_bounds = array<i64: 1000, 128>}, {pipeline_mode = #tpu.pipeline_mode<synchronous>, transform_indices = @transform_1, window_bounds = array<i64: 128, 128>}, {transform_indices = @transform_2, window_bounds = array<i64: 1, 1000, 1>}, {transform_indices = @transform_3, window_bounds = array<i64: 1, 1000, 1>}, {transform_indices = @transform_4, window_bounds = array<i64: 1000, 128>}]} {
    %get3A = arith.constant 0 : index
    %get3A_0 = arith.constant 0 : index
    %get3A_1 = vector.load %arg1[%get3A, %get3A_0] : memref<1000x128xf32, #tpu.memory_space<vmem>>, vector<1000x128xf32>
    %get3A_2 = arith.constant 0 : index
    %get3A_3 = arith.constant 0 : index
    %get3A_4 = vector.load %arg2[%get3A_2, %get3A_3] : memref<128x128xf32, #tpu.memory_space<vmem>>, vector<128x128xf32>
    %dot_general3A = arith.constant dense<0.000000e+00> : vector<1000x128xf32>
    %dot_general3A_5 = tpu.matmul %get3A_1, %get3A_4, %dot_general3A {dimension_numbers = #tpu.dot_dimension_numbers<[1], [0], [0], [1], [0, 0, 1, 1], [], []>, transpose_lhs_hint = false} : vector<1000x128xf32>, vector<128x128xf32>, vector<1000x128xf32> -> vector<1000x128xf32>
    %get3A_6 = arith.constant 0 : index
    %get3A_7 = arith.constant 0 : index
    %get3A_8 = arith.constant 0 : index
    %get3A_9 = vector.load %arg3[%get3A_6, %get3A_7, %get3A_8] : memref<1x1000x1xf32, #tpu.memory_space<vmem>>, vector<1x1000x1xf32>
    %get3A_10 = vector.shape_cast %get3A_9 : vector<1x1000x1xf32> to vector<1000x1xf32>
    %get3A_11 = arith.constant 0 : index
    %get3A_12 = arith.constant 0 : index
    %get3A_13 = arith.constant 0 : index
    %get3A_14 = vector.load %arg4[%get3A_11, %get3A_12, %get3A_13] : memref<1x1000x1xf32, #tpu.memory_space<vmem>>, vector<1x1000x1xf32>
    %get3A_15 = vector.shape_cast %get3A_14 : vector<1x1000x1xf32> to vector<1000x1xf32>
    %add3A = arith.addf %get3A_10, %get3A_15 : vector<1000x1xf32>
    %add3A_16 = arith.constant 1.000000e+00 : f32
    %add3A_17 = vector.broadcast %add3A_16 : f32 to vector<1000x1xf32>
    %add3A_18 = arith.addf %add3A, %add3A_17 : vector<1000x1xf32>
    %rsqrt3A = math.rsqrt %add3A_18 : vector<1000x1xf32>
    %mul3A = vector.broadcast %rsqrt3A : vector<1000x1xf32> to vector<1000x128xf32>
    %mul3A_19 = arith.mulf %dot_general3A_5, %mul3A : vector<1000x128xf32>
    %swap3A = arith.constant 0 : index
    %swap3A_20 = arith.constant 0 : index
    %swap3A_21 = vector.load %arg5[%swap3A, %swap3A_20] : memref<1000x128xf32, #tpu.memory_space<vmem>>, vector<1000x128xf32>
    tpu.vector_store %arg5[%swap3A, %swap3A_20], %mul3A_19 {strides = array<i32>} : memref<1000x128xf32, #tpu.memory_space<vmem>>, vector<1000x128xf32>,
    return
  }
  func.func @transform_0(%arg0: i32) -> (i32, i32) {
    %c0_i32 = arith.constant 0 : i32
    %c0_i32_0 = arith.constant 0 : i32
    return %arg0, %c0_i32 : i32, i32
  }
  func.func @transform_1(%arg0: i32) -> (i32, i32) {
    %c0_i32 = arith.constant 0 : i32
    %c0_i32_0 = arith.constant 0 : i32
    %c0_i32_1 = arith.constant 0 : i32
    return %c0_i32, %c0_i32_0 : i32, i32
  }
  func.func @transform_2(%arg0: i32) -> (i32, i32, i32) {
    %c0_i32 = arith.constant 0 : i32
    %c0_i32_0 = arith.constant 0 : i32
    %c0_i32_1 = arith.constant 0 : i32
    return %c0_i32, %arg0, %c0_i32_0 : i32, i32, i32
  }
  func.func @transform_3(%arg0: i32) -> (i32, i32, i32) {
    %c1_i32 = arith.constant 1 : i32
    %c0_i32 = arith.constant 0 : i32
    %c0_i32_0 = arith.constant 0 : i32
    return %c1_i32, %arg0, %c0_i32 : i32, i32, i32
  }
  func.func @transform_4(%arg0: i32) -> (i32, i32) {
    %c0_i32 = arith.constant 0 : i32
    %c0_i32_0 = arith.constant 0 : i32
    return %arg0, %c0_i32 : i32, i32
  }
}

module attributes {stable_mosaic.version = 14 : i64} {
  func.func @body(%arg0: i32, %arg1: memref<1x1000x128xf32, #tpu.memory_space<vmem>>, %arg2: memref<1x1000x128xf32, #tpu.memory_space<vmem>>, %arg3: memref<1000x128xf32, #tpu.memory_space<vmem>>, %arg4: memref<1x1000x1xf32, #tpu.memory_space<vmem>>, %arg5: memref<1x1000x1xf32, #tpu.memory_space<vmem>>, %arg6: memref<1x128xf32, #tpu.memory_space<vmem>>, %arg7: memref<128x128xf32, #tpu.memory_space<vmem>>, %arg8: memref<1000x128xf32, #tpu.memory_space<vmem>>) attributes {dimension_semantics = [#tpu.dimension_semantics<arbitrary>], iteration_bounds = array<i64: 10>, scalar_prefetch = 0 : i64, scratch_operands = 0 : i64, tpu.core_type = #tpu.core_type<tc>, window_params = [{transform_indices = @transform_0, window_bounds = array<i64: 1, 1000, 128>}, {transform_indices = @transform_1, window_bounds = array<i64: 1, 1000, 128>}, {transform_indices = @transform_2, window_bounds = array<i64: 1000, 128>}, {transform_indices = @transform_3, window_bounds = array<i64: 1, 1000, 1>}, {transform_indices = @transform_4, window_bounds = array<i64: 1, 1000, 1>}, {pipeline_mode = #tpu.pipeline_mode<synchronous>, transform_indices = @transform_5, window_bounds = array<i64: 1, 128>}, {pipeline_mode = #tpu.pipeline_mode<synchronous>, transform_indices = @transform_6, window_bounds = array<i64: 128, 128>}, {transform_indices = @transform_7, window_bounds = array<i64: 1000, 128>}]} {
    %get3A = arith.constant 0 : index
    %get3A_0 = arith.constant 0 : index
    %get3A_1 = arith.constant 0 : index
    %get3A_2 = vector.load %arg4[%get3A, %get3A_0, %get3A_1] : memref<1x1000x1xf32, #tpu.memory_space<vmem>>, vector<1x1000x1xf32>
    %get3A_3 = vector.shape_cast %get3A_2 : vector<1x1000x1xf32> to vector<1000x1xf32>
    %get3A_4 = arith.constant 0 : index
    %get3A_5 = arith.constant 0 : index
    %get3A_6 = arith.constant 0 : index
    %get3A_7 = vector.load %arg5[%get3A_4, %get3A_5, %get3A_6] : memref<1x1000x1xf32, #tpu.memory_space<vmem>>, vector<1x1000x1xf32>
    %get3A_8 = vector.shape_cast %get3A_7 : vector<1x1000x1xf32> to vector<1000x1xf32>
    %add3A = arith.addf %get3A_3, %get3A_8 : vector<1000x1xf32>
    %add3A_9 = arith.constant 1.000000e+00 : f32
    %add3A_10 = vector.broadcast %add3A_9 : f32 to vector<1000x1xf32>
    %add3A_11 = arith.addf %add3A, %add3A_10 : vector<1000x1xf32>
    %rsqrt3A = math.rsqrt %add3A_11 : vector<1000x1xf32>
    %get3A_12 = arith.constant 0 : index
    %get3A_13 = arith.constant 0 : index
    %get3A_14 = arith.constant 0 : index
    %get3A_15 = vector.load %arg1[%get3A_12, %get3A_13, %get3A_14] : memref<1x1000x128xf32, #tpu.memory_space<vmem>>, vector<1x1000x128xf32>
    %get3A_16 = vector.shape_cast %get3A_15 : vector<1x1000x128xf32> to vector<1000x128xf32>
    %get3A_17 = arith.constant 0 : index
    %get3A_18 = arith.constant 0 : index
    %get3A_19 = arith.constant 0 : index
    %get3A_20 = vector.load %arg2[%get3A_17, %get3A_18, %get3A_19] : memref<1x1000x128xf32, #tpu.memory_space<vmem>>, vector<1x1000x128xf32>
    %get3A_21 = vector.shape_cast %get3A_20 : vector<1x1000x128xf32> to vector<1000x128xf32>
    %add3A_22 = arith.addf %get3A_16, %get3A_21 : vector<1000x128xf32>
    %get3A_23 = arith.constant 0 : index
    %get3A_24 = arith.constant 0 : index
    %get3A_25 = vector.load %arg3[%get3A_23, %get3A_24] : memref<1000x128xf32, #tpu.memory_space<vmem>>, vector<1000x128xf32>
    %add3A_26 = arith.addf %add3A_22, %get3A_25 : vector<1000x128xf32>
    %mul3A = vector.broadcast %rsqrt3A : vector<1000x1xf32> to vector<1000x128xf32>
    %mul3A_27 = arith.mulf %mul3A, %add3A_26 : vector<1000x128xf32>
    %get3A_28 = arith.constant 0 : index
    %get3A_29 = arith.constant 0 : index
    %get3A_30 = vector.load %arg6[%get3A_28, %get3A_29] : memref<1x128xf32, #tpu.memory_space<vmem>>, vector<1x128xf32>
    %add3A_31 = vector.broadcast %get3A_30 : vector<1x128xf32> to vector<1000x128xf32>
    %add3A_32 = arith.addf %mul3A_27, %add3A_31 : vector<1000x128xf32>
    %max3A = arith.constant 0.000000e+00 : f32
    %max3A_33 = vector.broadcast %max3A : f32 to vector<1000x128xf32>
    %max3A_34 = arith.maximumf %add3A_32, %max3A_33 : vector<1000x128xf32>
    %get3A_35 = arith.constant 0 : index
    %get3A_36 = arith.constant 0 : index
    %get3A_37 = vector.load %arg7[%get3A_35, %get3A_36] : memref<128x128xf32, #tpu.memory_space<vmem>>, vector<128x128xf32>
    %dot_general3A = arith.constant dense<0.000000e+00> : vector<1000x128xf32>
    %dot_general3A_38 = tpu.matmul %max3A_34, %get3A_37, %dot_general3A {dimension_numbers = #tpu.dot_dimension_numbers<[1], [0], [0], [1], [0, 0, 1, 1], [], []>, transpose_lhs_hint = false} : vector<1000x128xf32>, vector<128x128xf32>, vector<1000x128xf32> -> vector<1000x128xf32>
    %mul3A_39 = vector.broadcast %rsqrt3A : vector<1000x1xf32> to vector<1000x128xf32>
    %mul3A_40 = arith.mulf %dot_general3A_38, %mul3A_39 : vector<1000x128xf32>
    %swap3A = arith.constant 0 : index
    %swap3A_41 = arith.constant 0 : index
    %swap3A_42 = vector.load %arg8[%swap3A, %swap3A_41] : memref<1000x128xf32, #tpu.memory_space<vmem>>, vector<1000x128xf32>
    tpu.vector_store %arg8[%swap3A, %swap3A_41], %mul3A_40 {strides = array<i32>} : memref<1000x128xf32, #tpu.memory_space<vmem>>, vector<1000x128xf32>,
    return
  }
  func.func @transform_0(%arg0: i32) -> (i32, i32, i32) {
    %c0_i32 = arith.constant 0 : i32
    %c0_i32_0 = arith.constant 0 : i32
    %c0_i32_1 = arith.constant 0 : i32
    return %c0_i32, %arg0, %c0_i32_0 : i32, i32, i32
  }
  func.func @transform_1(%arg0: i32) -> (i32, i32, i32) {
    %c1_i32 = arith.constant 1 : i32
    %c0_i32 = arith.constant 0 : i32
    %c0_i32_0 = arith.constant 0 : i32
    return %c1_i32, %arg0, %c0_i32 : i32, i32, i32
  }
  func.func @transform_2(%arg0: i32) -> (i32, i32) {
    %c0_i32 = arith.constant 0 : i32
    %c0_i32_0 = arith.constant 0 : i32
    return %arg0, %c0_i32 : i32, i32
  }
  func.func @transform_3(%arg0: i32) -> (i32, i32, i32) {
    %c0_i32 = arith.constant 0 : i32
    %c0_i32_0 = arith.constant 0 : i32
    %c0_i32_1 = arith.constant 0 : i32
    return %c0_i32, %arg0, %c0_i32_0 : i32, i32, i32
  }
  func.func @transform_4(%arg0: i32) -> (i32, i32, i32) {
    %c1_i32 = arith.constant 1 : i32
    %c0_i32 = arith.constant 0 : i32
    %c0_i32_0 = arith.constant 0 : i32
    return %c1_i32, %arg0, %c0_i32 : i32, i32, i32
  }
  func.func @transform_5(%arg0: i32) -> (i32, i32) {
    %c0_i32 = arith.constant 0 : i32
    %c0_i32_0 = arith.constant 0 : i32
    %c0_i32_1 = arith.constant 0 : i32
    return %c0_i32, %c0_i32_0 : i32, i32
  }
  func.func @transform_6(%arg0: i32) -> (i32, i32) {
    %c0_i32 = arith.constant 0 : i32
    %c0_i32_0 = arith.constant 0 : i32
    %c0_i32_1 = arith.constant 0 : i32
    return %c0_i32, %c0_i32_0 : i32, i32
  }
  func.func @transform_7(%arg0: i32) -> (i32, i32) {
    %c0_i32 = arith.constant 0 : i32
    %c0_i32_0 = arith.constant 0 : i32
    return %arg0, %c0_i32 : i32, i32
  }
}

module attributes {stable_mosaic.version = 14 : i64} {
  func.func @body(%arg0: i32, %arg1: memref<1x1000x128xf32, #tpu.memory_space<vmem>>, %arg2: memref<1x1000x128xf32, #tpu.memory_space<vmem>>, %arg3: memref<1000x128xf32, #tpu.memory_space<vmem>>, %arg4: memref<1x1000x1xf32, #tpu.memory_space<vmem>>, %arg5: memref<1x1000x1xf32, #tpu.memory_space<vmem>>, %arg6: memref<1x128xf32, #tpu.memory_space<vmem>>, %arg7: memref<1000x128xf32, #tpu.memory_space<vmem>>) attributes {dimension_semantics = [#tpu.dimension_semantics<arbitrary>], iteration_bounds = array<i64: 10>, scalar_prefetch = 0 : i64, scratch_operands = 0 : i64, tpu.core_type = #tpu.core_type<tc>, window_params = [{transform_indices = @transform_0, window_bounds = array<i64: 1, 1000, 128>}, {transform_indices = @transform_1, window_bounds = array<i64: 1, 1000, 128>}, {transform_indices = @transform_2, window_bounds = array<i64: 1000, 128>}, {transform_indices = @transform_3, window_bounds = array<i64: 1, 1000, 1>}, {transform_indices = @transform_4, window_bounds = array<i64: 1, 1000, 1>}, {pipeline_mode = #tpu.pipeline_mode<synchronous>, transform_indices = @transform_5, window_bounds = array<i64: 1, 128>}, {transform_indices = @transform_6, window_bounds = array<i64: 1000, 128>}]} {
    %get3A = arith.constant 0 : index
    %get3A_0 = arith.constant 0 : index
    %get3A_1 = arith.constant 0 : index
    %get3A_2 = vector.load %arg4[%get3A, %get3A_0, %get3A_1] : memref<1x1000x1xf32, #tpu.memory_space<vmem>>, vector<1x1000x1xf32>
    %get3A_3 = vector.shape_cast %get3A_2 : vector<1x1000x1xf32> to vector<1000x1xf32>
    %get3A_4 = arith.constant 0 : index
    %get3A_5 = arith.constant 0 : index
    %get3A_6 = arith.constant 0 : index
    %get3A_7 = vector.load %arg5[%get3A_4, %get3A_5, %get3A_6] : memref<1x1000x1xf32, #tpu.memory_space<vmem>>, vector<1x1000x1xf32>
    %get3A_8 = vector.shape_cast %get3A_7 : vector<1x1000x1xf32> to vector<1000x1xf32>
    %add3A = arith.addf %get3A_3, %get3A_8 : vector<1000x1xf32>
    %add3A_9 = arith.constant 1.000000e+00 : f32
    %add3A_10 = vector.broadcast %add3A_9 : f32 to vector<1000x1xf32>
    %add3A_11 = arith.addf %add3A, %add3A_10 : vector<1000x1xf32>
    %rsqrt3A = math.rsqrt %add3A_11 : vector<1000x1xf32>
    %get3A_12 = arith.constant 0 : index
    %get3A_13 = arith.constant 0 : index
    %get3A_14 = arith.constant 0 : index
    %get3A_15 = vector.load %arg1[%get3A_12, %get3A_13, %get3A_14] : memref<1x1000x128xf32, #tpu.memory_space<vmem>>, vector<1x1000x128xf32>
    %get3A_16 = vector.shape_cast %get3A_15 : vector<1x1000x128xf32> to vector<1000x128xf32>
    %get3A_17 = arith.constant 0 : index
    %get3A_18 = arith.constant 0 : index
    %get3A_19 = arith.constant 0 : index
    %get3A_20 = vector.load %arg2[%get3A_17, %get3A_18, %get3A_19] : memref<1x1000x128xf32, #tpu.memory_space<vmem>>, vector<1x1000x128xf32>
    %get3A_21 = vector.shape_cast %get3A_20 : vector<1x1000x128xf32> to vector<1000x128xf32>
    %add3A_22 = arith.addf %get3A_16, %get3A_21 : vector<1000x128xf32>
    %get3A_23 = arith.constant 0 : index
    %get3A_24 = arith.constant 0 : index
    %get3A_25 = vector.load %arg3[%get3A_23, %get3A_24] : memref<1000x128xf32, #tpu.memory_space<vmem>>, vector<1000x128xf32>
    %add3A_26 = arith.addf %add3A_22, %get3A_25 : vector<1000x128xf32>
    %mul3A = vector.broadcast %rsqrt3A : vector<1000x1xf32> to vector<1000x128xf32>
    %mul3A_27 = arith.mulf %mul3A, %add3A_26 : vector<1000x128xf32>
    %get3A_28 = arith.constant 0 : index
    %get3A_29 = arith.constant 0 : index
    %get3A_30 = vector.load %arg6[%get3A_28, %get3A_29] : memref<1x128xf32, #tpu.memory_space<vmem>>, vector<1x128xf32>
    %add3A_31 = vector.broadcast %get3A_30 : vector<1x128xf32> to vector<1000x128xf32>
    %add3A_32 = arith.addf %mul3A_27, %add3A_31 : vector<1000x128xf32>
    %swap3A = arith.constant 0 : index
    %swap3A_33 = arith.constant 0 : index
    %swap3A_34 = vector.load %arg7[%swap3A, %swap3A_33] : memref<1000x128xf32, #tpu.memory_space<vmem>>, vector<1000x128xf32>
    tpu.vector_store %arg7[%swap3A, %swap3A_33], %add3A_32 {strides = array<i32>} : memref<1000x128xf32, #tpu.memory_space<vmem>>, vector<1000x128xf32>,
    return
  }
  func.func @transform_0(%arg0: i32) -> (i32, i32, i32) {
    %c0_i32 = arith.constant 0 : i32
    %c0_i32_0 = arith.constant 0 : i32
    %c0_i32_1 = arith.constant 0 : i32
    return %c0_i32, %arg0, %c0_i32_0 : i32, i32, i32
  }
  func.func @transform_1(%arg0: i32) -> (i32, i32, i32) {
    %c1_i32 = arith.constant 1 : i32
    %c0_i32 = arith.constant 0 : i32
    %c0_i32_0 = arith.constant 0 : i32
    return %c1_i32, %arg0, %c0_i32 : i32, i32, i32
  }
  func.func @transform_2(%arg0: i32) -> (i32, i32) {
    %c0_i32 = arith.constant 0 : i32
    %c0_i32_0 = arith.constant 0 : i32
    return %arg0, %c0_i32 : i32, i32
  }
  func.func @transform_3(%arg0: i32) -> (i32, i32, i32) {
    %c0_i32 = arith.constant 0 : i32
    %c0_i32_0 = arith.constant 0 : i32
    %c0_i32_1 = arith.constant 0 : i32
    return %c0_i32, %arg0, %c0_i32_0 : i32, i32, i32
  }
  func.func @transform_4(%arg0: i32) -> (i32, i32, i32) {
    %c1_i32 = arith.constant 1 : i32
    %c0_i32 = arith.constant 0 : i32
    %c0_i32_0 = arith.constant 0 : i32
    return %c1_i32, %arg0, %c0_i32 : i32, i32, i32
  }
  func.func @transform_5(%arg0: i32) -> (i32, i32) {
    %c0_i32 = arith.constant 0 : i32
    %c0_i32_0 = arith.constant 0 : i32
    %c0_i32_1 = arith.constant 0 : i32
    return %c0_i32, %c0_i32_0 : i32, i32
  }
  func.func @transform_6(%arg0: i32) -> (i32, i32) {
    %c0_i32 = arith.constant 0 : i32
    %c0_i32_0 = arith.constant 0 : i32
    return %arg0, %c0_i32 : i32, i32
  }
}

</mosaic_0001>

<sc_bundles>
// kernel: kernel.11.cloned.1.call-start
scs
__scs_entry_jumppad:
0x0: {  	(pc) =	sbr.rel $0x88, $3  }
0x1: {  	(tag) =	ssettag $0x0;
	lr =	simm.s32 $0x1  }
0x2: {  	[smem:$0x3F9B] =	sst lr;
	_ =	strace $0xD0000000  }
0x3: {  	_ = 	snop  }
0x4: {  	_ = 	snop  }
0x5: {  	_ = 	snop  }
0x6: {  	_ = 	snop  }
0x7: {  	_ = 	snop  }
__scs_overlays_trampoline_lowered:
0x8: {  	[smem:$0x3FAA] =	sst s0  }
0x9: {  	[smem:$0x3FAB] =	sst s1  }
0xa: {  	[smem:$0x3FAC] =	sst s2  }
0xb: {  	[smem:$0x3FAD] =	sst s3  }
0xc: {  	[smem:$0x3FAE] =	sst s4  }
0xd: {  	[smem:$0x3FAF] =	sst s5  }
0xe: {  	[smem:$0x3FB0] =	sst s6  }
0xf: {  	[smem:$0x3FB1] =	sst s7  }
0x10: {  	[smem:$0x3FB2] =	sst s8  }
0x11: {  	[smem:$0x3FB3] =	sst s9;
	s0 =	simm.s32 @!p0 $0x0  }
0x12: {  	s1 =	sld [smem:$0x3F99];
	s0 =	simm.s32 @p0 $0x1  }
0x13: {  	[smem:$0x3FB4] =	sst s0;
	s0 =	simm.s32 @!p1 $0x0  }
0x14: {  	s2 =	sld [smem:$0x3F98];
	s0 =	simm.s32 @p1 $0x1  }
0x15: {  	[smem:$0x3FB5] =	sst s0;
	s0 =	simm.s32 @!p2 $0x0  }
0x16: {  	s3 =	sld [smem:$0x3FDB];
	s0 =	simm.s32 @p2 $0x1  }
0x17: {  	s4 =	simm.s32 $0x1BF5;
	[smem:$0x3FB7] =	sst s0  }
0x18: {  	s0 =	sld [smem:$0x3F9A];
	_ =	swait.ge [sflag:s4], $0x0  }
0x19: {  	s7 =	sld [smem:$0x3F9B]  }
0x1a: {  	s8 =	sadd.s32 $0xFFFFE003, lr  }
0x1b: {  	s9 =	sadd.s32 $0xFFFFFEF7, lr;
	s5 =	simm.s32 $0xFFFFFFFF;
	p2 =	slt.u32 s8, $0xFFFFF086  }
0x1c: {  	p1 =	slt.u32 s9, $0xF7A;
	s5 =	simm.s32 @!p2 $0x0  }
0x1d: {  	s5 =	simm.s32 @p1 $0x1;
	p0 =	seq.s32 s7, s2  }
0x1e: {  	s7 =	smul.u32 @!p0 $0xF7A, s2;
	p2 =	seq.s32 @!p0 s5, $0x0  }
0x1f: {  	s9 =	smul.u32 $0xF7A, s1;
	s8 =	simm.s32 @!p0 $0x1BF5;
	p2 =	por !p2, p0  }
0x20: {  	[sflag:s8] =	ssyncset.s32 @!p0 $0xFFFFF086;
	s6 =	sadd.s32 @!p0 s3, s7;
	s7 =	simm.s32 @!p0 $0x108  }
0x21: {  	s3 =	sadd.s32 s3, s9;
	s6 =	sadd.s32 @!p0 $0x88, s6;
	s7 =	simm.s32 @p2 $0x1082  }
0x22: {  	[simem:s7], [sflag:s8] =	dma.local @!p0 [hbm:s6], $0xF7A  }
0x23: {  	s9 =	sor.u32 $0xD0000000, s2;
	s6 =	simm.s32 $0x108;
	_ =	swait.ge @!p0 [sflag:s8], $0x0  }
0x24: {  	s3 =	sadd.s32 $0x88, s3;
	s6 =	simm.s32 @!p1 $0x1082;
	[sflag:s4] =	ssyncset.s32 $0xFFFFF086  }
0x25: {  	[simem:s6], [sflag:s4] =	dma.local [hbm:s3], $0xF7A  }
0x26: {  	[smem:$0x3F9B] =	sst s1;
	(tag) =	ssettag s2;
	_ =	strace s9  }
0x27: {  	s1 =	sld [smem:$0x3FAB]  }
0x28: {  	s2 =	sld [smem:$0x3FAC]  }
0x29: {  	s4 =	sld [smem:$0x3FAE]  }
0x2a: {  	p0 =	seq.s32 s5, $0x0;
	s5 =	sld [smem:$0x3FAF]  }
0x2b: {  	s6 =	sld [smem:$0x3FB0]  }
0x2c: {  	s7 =	sld [smem:$0x3FB1]  }
0x2d: {  	s3 =	simm.s32 $0x108;
	s8 =	sld [smem:$0x3FB2]  }
0x2e: {  	s3 =	simm.s32 @!p0 $0x1082;
	s9 =	sld [smem:$0x3FB3]  }
0x2f: {  	lr =	sadd.s32 s0, s3;
	s0 =	sld [smem:$0x3FAA]  }
0x30: {  	s3 =	sld [smem:$0x3FAD]  }
0x31: {  	[smem:$0x3FB6] =	sst s10  }
0x32: {  	s10 =	sld [smem:$0x3FB4];
	_ =	sdelay $0x3  }
0x33: {  	p0 =	seq.s32 s10, $0x1;
	s10 =	sld [smem:$0x3FB6];
	_ =	sdelay $0x3  }
0x34: {  	[smem:$0x3FB6] =	sst s10  }
0x35: {  	s10 =	sld [smem:$0x3FB5];
	_ =	sdelay $0x3  }
0x36: {  	p1 =	seq.s32 s10, $0x1;
	s10 =	sld [smem:$0x3FB6];
	_ =	sdelay $0x3  }
0x37: {  	[smem:$0x3FB6] =	sst s10  }
0x38: {  	s10 =	sld [smem:$0x3FB7]  }
0x39: {  	_ = 	snop;
	(pc) =	sbr.ind lr, $3  }
0x3a: {  	_ = 	snop  }
0x3b: {  	_ = 	snop  }
0x3c: {  	p2 =	seq.s32 s10, $0x1;
	s10 =	sld [smem:$0x3FB6]  }
0x3d: {  	_ =	shalt  }
0x3e: {  	_ =	shalt  }
0x3f: {  	_ =	shalt  }
0x40: {  	_ =	shalt  }
0x41: {  	_ =	shalt  }
0x42: {  	_ =	shalt  }
0x43: {  	_ =	shalt  }
0x44: {  	_ =	shalt  }
0x45: {  	_ =	shalt  }
0x46: {  	_ =	shalt  }
0x47: {  	_ =	shalt  }
0x48: {  	_ =	shalt  }
0x49: {  	_ =	shalt  }
0x4a: {  	_ =	shalt  }
0x4b: {  	_ =	shalt  }
0x4c: {  	_ =	shalt  }
0x4d: {  	_ =	shalt  }
0x4e: {  	_ =	shalt  }
0x4f: {  	_ =	shalt  }
0x50: {  	_ =	shalt  }
0x51: {  	_ =	shalt  }
0x52: {  	_ =	shalt  }
0x53: {  	_ =	shalt  }
0x54: {  	_ =	shalt  }
0x55: {  	_ =	shalt  }
0x56: {  	_ =	shalt  }
0x57: {  	_ =	shalt  }
0x58: {  	_ =	shalt  }
0x59: {  	_ =	shalt  }
0x5a: {  	_ =	shalt  }
0x5b: {  	_ =	shalt  }
0x5c: {  	_ =	shalt  }
0x5d: {  	_ =	shalt  }
0x5e: {  	_ =	shalt  }
0x5f: {  	_ =	shalt  }
0x60: {  	_ =	shalt  }
0x61: {  	_ =	shalt  }
0x62: {  	_ =	shalt  }
0x63: {  	_ =	shalt  }
0x64: {  	_ =	shalt  }
0x65: {  	_ =	shalt  }
0x66: {  	_ =	shalt  }
0x67: {  	_ =	shalt  }
0x68: {  	_ =	shalt  }
0x69: {  	_ =	shalt  }
0x6a: {  	_ =	shalt  }
0x6b: {  	_ =	shalt  }
0x6c: {  	_ =	shalt  }
0x6d: {  	_ =	shalt  }
0x6e: {  	_ =	shalt  }
0x6f: {  	_ =	shalt  }
0x70: {  	_ =	shalt  }
0x71: {  	_ =	shalt  }
0x72: {  	_ =	shalt  }
0x73: {  	_ =	shalt  }
0x74: {  	_ =	shalt  }
0x75: {  	_ =	shalt  }
0x76: {  	_ =	shalt  }
0x77: {  	_ =	shalt  }
0x78: {  	_ =	shalt  }
0x79: {  	_ =	shalt  }
0x7a: {  	_ =	shalt  }
0x7b: {  	_ =	shalt  }
0x7c: {  	_ =	shalt  }
0x7d: {  	_ =	shalt  }
0x7e: {  	_ =	shalt  }
0x7f: {  	_ =	shalt  }
0x80: {  	_ =	shalt  }
0x81: {  	_ =	shalt  }
0x82: {  	_ =	shalt  }
0x83: {  	_ =	shalt  }
0x84: {  	_ =	shalt  }
0x85: {  	_ =	shalt  }
0x86: {  	_ =	shalt  }
0x87: {  	_ =	shalt  }
.Lfunc_end0:
.L_simem_size_0:
called_computation.1_lowered:
.L_overlay_start_0:
0x88: {  	s2 =	sld [smem:$0x3FD9]  }
0x89: {  	s3 =	sld [smem:$0x3FFE];
	_ =	sdelay $0x1  }
0x8a: {  	s1 =	srdreg.scid  }
0x8b: {  	s0 =	sand.u32 $0x1, s1  }
0x8c: {  	s17 =	sshll.u32 s0, $0xA;
	s2 =	sadd.s32 s3, s2  }
0x8d: {  	s2 =	sadd.s32 s2, s17  }
0x8e: {  	[smem:$0x3FC2] =	sst s2  }
0x8f: {  	_ = 	snop  }
0x90: {  	s2 =	sld [smem:$0x3FD0];
	(tm) =	ssettm $0x1  }
0x91: {  	s18 =	sld [smem:$0x3FFB];
	_ =	sdelay $0x3  }
0x92: {  	_ =	strace s18  }
0x93: {  	s3 =	sld [smem:$0x3FFC];
	_ =	sdelay $0x3  }
0x94: {  	_ =	strace s3  }
0x95: {  	s3 =	sld [smem:$0x3FFD];
	_ =	sdelay $0x3  }
0x96: {  	_ =	strace s3  }
0x97: {  	_ =	strace $0x8FFFFFFF  }
0x98: {  	s19 =	sld [smem:$0x3FDB];
	_ =	sdelay $0x1  }
0x99: {  	s4 =	simm.s32 $_scs_section_size  }
0x9a: {  	s5 =	simm.s32 $_size__tile_overlayer_lowered;
	s6 =	simm.s32 $_tile_overlayer_lowered  }
0x9b: {  	s22 =	simm.s32 $0x1BFF;
	s21 =	sshll.u32 s6, $0x1;
	s3 =	sadd.s32 s4, s19  }
0x9c: {  	s7 =	simm.s32 $0x0;
	s20 =	sshll.u32 s5, $0x1;
	s5 =	sadd.s32 s21, s3  }
0x9d: {  	[timem:s7], [sflag:s22] =	dma.local [hbm:s5], s20  }
0x9e: {  	_ =	swait.ge [sflag:s22], s20  }
0x9f: {  	s4 =	ssub.s32 $0x0, s20;
	[sflag:s22] =	ssyncset.done $0x0  }
0xa0: {  	[sflag:s22] =	ssyncadd.s32 s4;
	_ =	sdelay $0x1  }
0xa1: {  	s23 =	simm.s32 $0x1B8B  }
0xa2: {  	_ =	swait.ge [sflag:s23], $0x1  }
0xa3: {  	[sflag:s23] =	ssyncset.done $0x0  }
0xa4: {  	s25 =	simm.s32 $0x1B8E;
	s24 =	sld [smem:$0x3FFE];
	[sflag:s23] =	ssyncadd.s32 $0xFFFFFFFF  }
0xa5: {  	s26 =	simm.s32 $execute0_lowered;
	[smem:$0x3FD2] =	sst s25  }
0xa6: {  	s5 =	sshll.u32 s26, $0x1;
	_ =	strace $0x80000049;
	[dreg:$0x1] =	wrdreg $0xFFFFFFFF  }
0xa7: {  	s28 =	simm.s32 $_size_execute0_lowered;
	s3 =	sadd.s32 s3, s5;
	[dreg:$0x0] =	wrdreg $0x0  }
0xa8: {  	s5 =	sshll.u32 s28, $0x1;
	[dreg:$0x2] =	wrdreg s3  }
0xa9: {  	[dreg:$0x3] =	wrdreg s5  }
0xaa: {  	[dreg:$0x4] =	wrdreg $0xC0  }
0xab: {  	_ =	task [dreg:s7], $0x5FFFF  }
0xac: {  	[dreg:$0x1] =	wrdreg $0xFFFFFFFF  }
0xad: {  	[dreg:$0x0] =	wrdreg $0x60  }
0xae: {  	[dreg:$0x2] =	wrdreg s2  }
0xaf: {  	[dreg:$0x3] =	wrdreg s24  }
0xb0: {  	[dreg:$0x4] =	wrdreg $0xBC000  }
0xb1: {  	[dreg:$0x5] =	wrdreg $0x9  }
0xb2: {  	_ =	task.clear_ibuf [dreg:s7], $0x6FFFF;
	_ =	strace $0x90000049  }
0xb3: {  	s29 =	simm.s32 $0x9;
	_ =	strace $0x8000004B  }
0xb4: {  	_ =	swait.ge [sflag:s29], $0x1  }
0xb5: {  	[sflag:s29] =	ssyncadd.s32 $0xFFFFFFFF  }
0xb6: {  	_ =	strace $0x9000004B  }
0xb7: {  	_ =	sfence  }
0xb8: {  	s30 =	sld [smem:$0x0];
	_ =	sdelay $0x2  }
0xb9: {  	s31 =	sshll.u32 s1, $0xD;
	s1 =	sshrl.u32 s1, $0x2  }
0xba: {  	s3 =	sand.u32 $0x4000, s31;
	s1 =	sadd.s32 s1, s30  }
0xbb: {  	s0 =	sor.u32 s3, s0;
	s1 =	sshll.u32 s1, $0x11  }
0xbc: {  	s0 =	sor.u32 s1, s0  }
0xbd: {  	s0 =	sadd.s32 $0x8F2B, s0  }
0xbe: {  	[sflag:s0] =	ssyncadd.remote.s32 $0x1  }
0xbf: {  	_ =	sfence.sel $0xFFFF  }
0xc0: {  	[dreg:$0x0] =	wrdreg $0xFFFFFFFF;
	(pc) =	sbr.abs _section_cstart, $3  }
0xc1: {  	[dreg:$0x1] =	wrdreg $0xFFFFFFFF  }
0xc2: {  	_ =	task.clear_ibuf [dreg:s7], $0x2FFFF;
	_ =	strace $0x9FFFFFFF  }
0xc3: {  	(tm) =	ssettm $0x7FFFFFFF  }
tec
execute0_lowered:
.L_overlay_start_1:
0x0: {  	(tag) =	ssettag $0x1  }
0x1: {  	s0 =	rddreg [dreg:$0x0]  }
0x2: {  	s8 =	rddreg [dreg:$0x1];
	s1 =	srdreg.scid  }
0x3: {  	s3 =	rddreg [dreg:$0x2];
	s2 =	stileid.u32  }
0x4: {  	s4 =	simm.s32 $0x0;
	s19 =	simm.s32 $0x3;
	s20 =	simm.s32 $0x64  }
0x5: {  	s21 =	simm.s32 $0x80;
	s22 =	simm.s32 $0x5400;
	s23 =	simm.s32 $0x1  }
0x6: {  	s24 =	simm.s32 $0x2;
	s13 =	sand.u32 $0x1, s1;
	s9 =	smul.u32 $0x14000, s2  }
0x7: {  	[smem:$0x7FF] =	sst s4;
	s10 =	smul.u32 $0x50000, s2;
	s5 =	sadd.s32 $0x12C00, s8  }
0x8: {  	s6 =	sadd.s32 $0x2C00, s8;
	s15 =	sshll.u32 s2, $0xC;
	s7 =	smul.u32 $0x140000, s13  }
0x9: {  	_ =	strace $0x8000004A;
	s31 =	ssub.s32 $0x2, s13;
	s18 =	sshll.u32 s13, $0xB  }
0xa: {  	s10 =	sshrl.u32 s10, $0x2;
	s12 =	sshrl.u32 s31, $0x1;
	s15 =	sor.u32 s18, s15  }
0xb: {  	s18 =	simm.s32 $0x2000;
	s7 =	sadd.s32 s9, s7;
	s17 =	ssub.s32 s31, s12  }
0xc: {  	s11 =	sshrl.u32 s7, $0x3;
	s7 =	sadd.s32 s10, s3;
	s17 =	smax.u32 s17, $0x1  }
0xd: {  	s16 =	sadd.s32 s11, s8;
	s8 =	sadd.s32 $0x2800, s7;
	s9 =	sadd.s32 $0x5000, s7  }
0xe: {  	s10 =	sadd.s32 $0x7800, s7;
	s11 =	sadd.s32 $0xA000, s7;
	s12 =	sadd.s32 $0xC800, s7  }
0xf: {  	v0 =	vimm.f32 $0.0e+00;
	s13 =	sadd.s32 $0xF000, s7;
	s14 =	sadd.s32 $0x11800, s7;
	s16 =	sadd.s32 $0x72C00, s16  }
.LBB2_1:
0x10: {  	s25 =	simm.s32 $0x70;
	s26 =	simm.s32 $0x3C0  }
.LBB2_2:
0x11: {  	p0 =	sne.s32 s26, $0xC7C0;
	[tilespmem:s25+$0x2000] =	vst v0  }
0x12: {  	[tilespmem:s25+$0x1F90] =	vst v0  }
0x13: {  	[tilespmem:s25+$0x1FA0] =	vst v0  }
.Ltmp0:
0x14: {  	[tilespmem:s25+$0x1FB0] =	vst v0;
	(pc) =	sbr.rel @p0 .LBB2_2-.Ltmp0, $4  }
0x15: {  	[tilespmem:s25+$0x1FC0] =	vst v0  }
0x16: {  	[tilespmem:s25+$0x1FD0] =	vst v0  }
0x17: {  	[tilespmem:s25+$0x1FE0] =	vst v0  }
0x18: {  	[tilespmem:s25+$0x1FF0] =	vst v0;
	s25 =	sshra.s32 s26, $0x2;
	s26 =	sadd.s32 $0x200, s26  }
0x19: {  	[tilespmem:s25+$0x2000] =	vst v0  }
0x1a: {  	[tilespmem:s25+$0x1F90] =	vst v0  }
0x1b: {  	[tilespmem:s25+$0x1FA0] =	vst v0  }
0x1c: {  	[tilespmem:s25+$0x1FB0] =	vst v0  }
0x1d: {  	[tilespmem:s25+$0x1FC0] =	vst v0  }
0x1e: {  	[tilespmem:s25+$0x1FD0] =	vst v0  }
0x1f: {  	[tilespmem:s25+$0x1FE0] =	vst v0  }
0x20: {  	[tilespmem:s25+$0x1FF0] =	vst v0  }
0x21: {  	[spmem:s7] =	stream.linear.scatter [tilespmem:s18], [sflag:$0x3], $0x2800, $0x38;
	[tilespmem:$0x1FC00] =	vst v63  }
0x22: {  	_ =	swait.ge [sflag:s19], $0x2800  }
0x23: {  	[sflag:s19] =	ssyncset.done $0x0  }
0x24: {  	[sflag:s19] =	ssyncadd.s32 $0xFFFFD800  }
0x25: {  	[spmem:s8] =	stream.linear.scatter [tilespmem:s18], [sflag:$0x3], $0x2800, $0x38;
	[tilespmem:$0x1FC00] =	vst v63  }
0x26: {  	_ =	swait.ge [sflag:s19], $0x2800  }
0x27: {  	[sflag:s19] =	ssyncset.done $0x0  }
0x28: {  	[sflag:s19] =	ssyncadd.s32 $0xFFFFD800  }
0x29: {  	[spmem:s9] =	stream.linear.scatter [tilespmem:s18], [sflag:$0x3], $0x2800, $0x38;
	[tilespmem:$0x1FC00] =	vst v63  }
0x2a: {  	_ =	swait.ge [sflag:s19], $0x2800  }
0x2b: {  	[sflag:s19] =	ssyncset.done $0x0  }
0x2c: {  	[sflag:s19] =	ssyncadd.s32 $0xFFFFD800  }
0x2d: {  	[spmem:s10] =	stream.linear.scatter [tilespmem:s18], [sflag:$0x3], $0x2800, $0x38;
	[tilespmem:$0x1FC00] =	vst v63  }
0x2e: {  	_ =	swait.ge [sflag:s19], $0x2800  }
0x2f: {  	[sflag:s19] =	ssyncset.done $0x0  }
0x30: {  	[sflag:s19] =	ssyncadd.s32 $0xFFFFD800  }
0x31: {  	[spmem:s11] =	stream.linear.scatter [tilespmem:s18], [sflag:$0x3], $0x2800, $0x38;
	[tilespmem:$0x1FC00] =	vst v63  }
0x32: {  	_ =	swait.ge [sflag:s19], $0x2800  }
0x33: {  	[sflag:s19] =	ssyncset.done $0x0  }
0x34: {  	[sflag:s19] =	ssyncadd.s32 $0xFFFFD800  }
0x35: {  	[spmem:s12] =	stream.linear.scatter [tilespmem:s18], [sflag:$0x3], $0x2800, $0x38;
	[tilespmem:$0x1FC00] =	vst v63  }
0x36: {  	_ =	swait.ge [sflag:s19], $0x2800  }
0x37: {  	[sflag:s19] =	ssyncset.done $0x0  }
0x38: {  	[sflag:s19] =	ssyncadd.s32 $0xFFFFD800  }
0x39: {  	[spmem:s13] =	stream.linear.scatter [tilespmem:s18], [sflag:$0x3], $0x2800, $0x38;
	[tilespmem:$0x1FC00] =	vst v63  }
0x3a: {  	_ =	swait.ge [sflag:s19], $0x2800  }
0x3b: {  	[sflag:s19] =	ssyncset.done $0x0  }
0x3c: {  	[sflag:s19] =	ssyncadd.s32 $0xFFFFD800  }
0x3d: {  	[spmem:s14] =	stream.linear.scatter [tilespmem:s18], [sflag:$0x3], $0x2800, $0x38;
	[tilespmem:$0x1FC00] =	vst v63  }
0x3e: {  	_ =	swait.ge [sflag:s19], $0x2800  }
0x3f: {  	[sflag:s19] =	ssyncset.done $0x0  }
0x40: {  	[sflag:s19] =	ssyncadd.s32 $0xFFFFD800  }
0x41: {  	s25 =	simm.s32 $0x0;
	s26 =	simm.s32 $0x0;
	[bflag:$0x0] =	sbarrier.arrive $0xFFFF  }
.LBB2_4:
0x42: {  	s28 =	sshll.u32 s26, $0x9  }
0x43: {  	s28 =	sadd.s32 s15, s28  }
0x44: {  	s29 =	sadd.s32 s5, s28  }
0x45: {  	[tilespmem:s25], [sflag:$0x3] =	stream.linear.gather [hbm4b:s29+s25], $0xC80, $0x38;
	[tilespmem:$0x1FC00] =	vst v63  }
0x46: {  	_ =	swait.ge [sflag:s19], $0xC80  }
0x47: {  	[sflag:s19] =	ssyncset.done $0x0  }
0x48: {  	s29 =	sadd.s32 s6, s28;
	s28 =	simm.s32 $0x1000;
	[sflag:s19] =	ssyncadd.s32 $0xFFFFF380  }
0x49: {  	[tilespmem:s28], [sflag:$0x3] =	stream.linear.gather [hbm4b:s29+s25], $0xC80, $0x38;
	[tilespmem:$0x1FC00] =	vst v63  }
0x4a: {  	_ =	swait.ge [sflag:s19], $0xC80  }
0x4b: {  	[sflag:s19] =	ssyncset.done $0x0  }
0x4c: {  	[sflag:s19] =	ssyncadd.s32 $0xFFFFF380  }
0x4d: {  	[tilespmem:s18], [sflag:$0x1] =	stream.indirect.gather [hbm4b:s0+s20], $0x80, s25, s20, $0xb8;
	[tilespmem:$0x1FC00] =	vst v63  }
0x4e: {  	s30 =	simm.s32 $0x0;
	s29 =	simm.s32 $0x100  }
0x4f: {  	[tilespmem:s22], [sflag:$0x1] =	stream.indirect.gather [hbm4b:s0+s20], $0x80, s21, s20, $0xb8;
	[tilespmem:$0x1FC00] =	vst v63  }
.LBB2_5:
0x50: {  	_ =	swait.ge [sflag:s23], $0x3200  }
0x51: {  	p0 =	seq.s32 s30, $0x0;
	[sflag:s23] =	ssyncset.done $0x0  }
0x52: {  	s31 =	simm.s32 @!p0 $0x2;
	[sflag:s23] =	ssyncadd.s32 $0xFFFFCE00  }
0x53: {  	p1 =	sgt.u32 @!p0 s30, $0x16;
	_ =	swait.ge @!p0 [sflag:s31], $0x3200  }
0x54: {  	p1 =	por p0, !p1;
	[sflag:s31] =	ssyncset.done @!p0 $0x0  }
0x55: {  	[sflag:s31] =	ssyncadd.s32 @!p0 $0xFFFFCE00;
	s31 =	sadd.s32 @p1 $0x2, s30  }
0x56: {  	s1 =	smul.u32 @p1 $0xAB, s31;
	_ =	sdelay $0x1  }
0x57: {  	s1 =	sshrl.u32 @p1 s1, $0x9  }
0x58: {  	s1 =	sand.u32 @p1 $0x7F, s1  }
0x59: {  	s1 =	smul.u32 @p1 $0x3, s1;
	_ =	sdelay $0x1  }
0x5a: {  	s1 =	ssub.s32 @p1 s31, s1  }
0x5b: {  	s1 =	sand.u32 @p1 $0xFF, s1  }
0x5c: {  	s1 =	smul.u32 @p1 $0xD000, s1;
	_ =	sdelay $0x1  }
0x5d: {  	s1 =	sshrl.u32 @p1 s1, $0x2  }
0x5e: {  	s31 =	smul.u32 $0xAB, s30;
	s1 =	sadd.s32 @p1 $0x2000, s1  }
0x5f: {  	[tilespmem:s1], [sflag:$0x1] =	stream.indirect.gather @p1 [hbm4b:s0+s20], $0x80, s29, s20, $0xb8;
	[tilespmem:$0x1FC00] =	vst v63  }
0x60: {  	s1 =	sshrl.u32 s31, $0x9  }
0x61: {  	s1 =	sand.u32 $0x7F, s1  }
0x62: {  	s1 =	smul.u32 $0x3, s1;
	_ =	sdelay $0x1  }
0x63: {  	s1 =	ssub.s32 s30, s1  }
0x64: {  	s30 =	sadd.s32 $0x1, s30;
	s1 =	sand.u32 $0xFF, s1  }
0x65: {  	p0 =	sne.s32 s30, $0x19;
	s1 =	smul.u32 $0xD000, s1  }
.Ltmp1:
0x66: {  	_ = 	snop;
	(pc) =	sbr.rel @p0 .LBB2_5-.Ltmp1, $4  }
0x67: {  	s1 =	sshrl.u32 s1, $0x2  }
0x68: {  	s1 =	sadd.s32 $0x2000, s1  }
0x69: {  	[spmem:s3] =	stream.indirect.scatter.add.f32 [tilespmem:s1], [sflag:$0x2], $0x80, s28, s20, $0xb8;
	[tilespmem:$0x1FC00] =	vst v63  }
0x6a: {  	s29 =	sadd.s32 $0x80, s29;
	s28 =	sadd.s32 $0x80, s28  }
0x6b: {  	s26 =	sadd.s32 $0x1, s26  }
0x6c: {  	p0 =	sne.s32 s26, $0x4  }
.Ltmp2:
0x6d: {  	_ = 	snop;
	(pc) =	sbr.rel @p0 .LBB2_4-.Ltmp2, $4  }
0x6e: {  	_ = 	snop  }
0x6f: {  	_ =	swait.ge [sflag:s24], $0x3200  }
0x70: {  	[sflag:s24] =	ssyncset.done $0x0  }
0x71: {  	[sflag:s24] =	ssyncadd.s32 $0xFFFFCE00  }
0x72: {  	s4 =	sadd.s32 $0x1, s4  }
0x73: {  	s1 =	sshll.u32 s2, $0x6;
	[bflag:$0x0] =	sbarrier.arrive $0xFFFF;
	p0 =	sne.s32 s4, s17  }
.Ltmp3:
0x74: {  	s25 =	sshrl.u32 s7, $0x3;
	s1 =	sor.u32 $0x1C03, s1;
	(pc) =	sbr.rel @p0 .LBB2_1-.Ltmp3, $4  }
0x75: {  	[hbm:s16], [sflag:s1] =	dma.local [spmem:s25], $0x2800  }
0x76: {  	_ =	swait.ge [sflag:s19], $0x2800  }
0x77: {  	[sflag:s19] =	ssyncset.done $0x0  }
0x78: {  	[sflag:s19] =	ssyncadd.s32 $0xFFFFD800  }
0x79: {  	_ =	sfence.sel $0x180000  }
0x7a: {  	[bflag:$0x0] =	sbarrier.arrive $0xFFFF  }
0x7b: {  	_ =	strace $0x9000004A  }
0x7c: {  	[bflag:$0x2] =	sbarrier.arrive $0xFFFF  }
0x7d: {  	p0 =	sne.s32 s2, $0x0;
	s0 =	rddreg [dreg:$0x3]  }
0x7e: {  	s0 =	sadd.s32 @!p0 $0x100000, s0  }
0x7f: {  	[sflag:s0] =	ssyncadd.tile.s32 @!p0 $0x1;
	_ =	shalt  }
.Lfunc_end2:
_tile_overlayer_lowered:
.L_overlay_start_2:
0x80: {  	(tag) =	ssettag $0x2  }
0x81: {  	s0 =	rddreg [dreg:$0x0];
	s2 =	stileid.u32  }
0x82: {  	s1 =	rddreg [dreg:$0x1];
	p0 =	sne.s32 s2, $0x0  }
0x83: {  	s3 =	rddreg [dreg:$0x2];
	[bflag:$0x3] =	sbarrier.arrive $0xFFFF;
	s2 =	simm.s32 @!p0 $0x1C03  }
0x84: {  	[timem:s3], [sflag:s2] =	dma.local @!p0 [hbm:s0], s1  }
0x85: {  	s0 =	simm.s32 @!p0 $0x3  }
0x86: {  	_ =	swait.ge @!p0 [sflag:s0], s1  }
0x87: {  	s1 =	ssub.s32 @!p0 $0x0, s1;
	[sflag:s0] =	ssyncset.done @!p0 $0x0  }
0x88: {  	[sflag:s0] =	ssyncadd.s32 @!p0 s1  }
0x89: {  	[bflag:$0x3] =	sbarrier.arrive $0xFFFF  }
0x8a: {  	_ =	shalt  }

// kernel: kernel.14.cloned.1.call-start
scs
__scs_entry_jumppad:
0x0: {  	(pc) =	sbr.rel $0x88, $3  }
0x1: {  	(tag) =	ssettag $0x0;
	lr =	simm.s32 $0x1  }
0x2: {  	[smem:$0x3F9B] =	sst lr;
	_ =	strace $0xD0000000  }
0x3: {  	_ = 	snop  }
0x4: {  	_ = 	snop  }
0x5: {  	_ = 	snop  }
0x6: {  	_ = 	snop  }
0x7: {  	_ = 	snop  }
__scs_overlays_trampoline_lowered:
0x8: {  	[smem:$0x3FAA] =	sst s0  }
0x9: {  	[smem:$0x3FAB] =	sst s1  }
0xa: {  	[smem:$0x3FAC] =	sst s2  }
0xb: {  	[smem:$0x3FAD] =	sst s3  }
0xc: {  	[smem:$0x3FAE] =	sst s4  }
0xd: {  	[smem:$0x3FAF] =	sst s5  }
0xe: {  	[smem:$0x3FB0] =	sst s6  }
0xf: {  	[smem:$0x3FB1] =	sst s7  }
0x10: {  	[smem:$0x3FB2] =	sst s8  }
0x11: {  	[smem:$0x3FB3] =	sst s9;
	s0 =	simm.s32 @!p0 $0x0  }
0x12: {  	s1 =	sld [smem:$0x3F99];
	s0 =	simm.s32 @p0 $0x1  }
0x13: {  	[smem:$0x3FB4] =	sst s0;
	s0 =	simm.s32 @!p1 $0x0  }
0x14: {  	s2 =	sld [smem:$0x3F98];
	s0 =	simm.s32 @p1 $0x1  }
0x15: {  	[smem:$0x3FB5] =	sst s0;
	s0 =	simm.s32 @!p2 $0x0  }
0x16: {  	s3 =	sld [smem:$0x3FDB];
	s0 =	simm.s32 @p2 $0x1  }
0x17: {  	s4 =	simm.s32 $0x1BF5;
	[smem:$0x3FB7] =	sst s0  }
0x18: {  	s0 =	sld [smem:$0x3F9A];
	_ =	swait.ge [sflag:s4], $0x0  }
0x19: {  	s7 =	sld [smem:$0x3F9B]  }
0x1a: {  	s8 =	sadd.s32 $0xFFFFE003, lr  }
0x1b: {  	s9 =	sadd.s32 $0xFFFFFEF7, lr;
	s5 =	simm.s32 $0xFFFFFFFF;
	p2 =	slt.u32 s8, $0xFFFFF086  }
0x1c: {  	p1 =	slt.u32 s9, $0xF7A;
	s5 =	simm.s32 @!p2 $0x0  }
0x1d: {  	s5 =	simm.s32 @p1 $0x1;
	p0 =	seq.s32 s7, s2  }
0x1e: {  	s7 =	smul.u32 @!p0 $0xF7A, s2;
	p2 =	seq.s32 @!p0 s5, $0x0  }
0x1f: {  	s9 =	smul.u32 $0xF7A, s1;
	s8 =	simm.s32 @!p0 $0x1BF5;
	p2 =	por !p2, p0  }
0x20: {  	[sflag:s8] =	ssyncset.s32 @!p0 $0xFFFFF086;
	s6 =	sadd.s32 @!p0 s3, s7;
	s7 =	simm.s32 @!p0 $0x108  }
0x21: {  	s3 =	sadd.s32 s3, s9;
	s6 =	sadd.s32 @!p0 $0x88, s6;
	s7 =	simm.s32 @p2 $0x1082  }
0x22: {  	[simem:s7], [sflag:s8] =	dma.local @!p0 [hbm:s6], $0xF7A  }
0x23: {  	s9 =	sor.u32 $0xD0000000, s2;
	s6 =	simm.s32 $0x108;
	_ =	swait.ge @!p0 [sflag:s8], $0x0  }
0x24: {  	s3 =	sadd.s32 $0x88, s3;
	s6 =	simm.s32 @!p1 $0x1082;
	[sflag:s4] =	ssyncset.s32 $0xFFFFF086  }
0x25: {  	[simem:s6], [sflag:s4] =	dma.local [hbm:s3], $0xF7A  }
0x26: {  	[smem:$0x3F9B] =	sst s1;
	(tag) =	ssettag s2;
	_ =	strace s9  }
0x27: {  	s1 =	sld [smem:$0x3FAB]  }
0x28: {  	s2 =	sld [smem:$0x3FAC]  }
0x29: {  	s4 =	sld [smem:$0x3FAE]  }
0x2a: {  	p0 =	seq.s32 s5, $0x0;
	s5 =	sld [smem:$0x3FAF]  }
0x2b: {  	s6 =	sld [smem:$0x3FB0]  }
0x2c: {  	s7 =	sld [smem:$0x3FB1]  }
0x2d: {  	s3 =	simm.s32 $0x108;
	s8 =	sld [smem:$0x3FB2]  }
0x2e: {  	s3 =	simm.s32 @!p0 $0x1082;
	s9 =	sld [smem:$0x3FB3]  }
0x2f: {  	lr =	sadd.s32 s0, s3;
	s0 =	sld [smem:$0x3FAA]  }
0x30: {  	s3 =	sld [smem:$0x3FAD]  }
0x31: {  	[smem:$0x3FB6] =	sst s10  }
0x32: {  	s10 =	sld [smem:$0x3FB4];
	_ =	sdelay $0x3  }
0x33: {  	p0 =	seq.s32 s10, $0x1;
	s10 =	sld [smem:$0x3FB6];
	_ =	sdelay $0x3  }
0x34: {  	[smem:$0x3FB6] =	sst s10  }
0x35: {  	s10 =	sld [smem:$0x3FB5];
	_ =	sdelay $0x3  }
0x36: {  	p1 =	seq.s32 s10, $0x1;
	s10 =	sld [smem:$0x3FB6];
	_ =	sdelay $0x3  }
0x37: {  	[smem:$0x3FB6] =	sst s10  }
0x38: {  	s10 =	sld [smem:$0x3FB7]  }
0x39: {  	_ = 	snop;
	(pc) =	sbr.ind lr, $3  }
0x3a: {  	_ = 	snop  }
0x3b: {  	_ = 	snop  }
0x3c: {  	p2 =	seq.s32 s10, $0x1;
	s10 =	sld [smem:$0x3FB6]  }
0x3d: {  	_ =	shalt  }
0x3e: {  	_ =	shalt  }
0x3f: {  	_ =	shalt  }
0x40: {  	_ =	shalt  }
0x41: {  	_ =	shalt  }
0x42: {  	_ =	shalt  }
0x43: {  	_ =	shalt  }
0x44: {  	_ =	shalt  }
0x45: {  	_ =	shalt  }
0x46: {  	_ =	shalt  }
0x47: {  	_ =	shalt  }
0x48: {  	_ =	shalt  }
0x49: {  	_ =	shalt  }
0x4a: {  	_ =	shalt  }
0x4b: {  	_ =	shalt  }
0x4c: {  	_ =	shalt  }
0x4d: {  	_ =	shalt  }
0x4e: {  	_ =	shalt  }
0x4f: {  	_ =	shalt  }
0x50: {  	_ =	shalt  }
0x51: {  	_ =	shalt  }
0x52: {  	_ =	shalt  }
0x53: {  	_ =	shalt  }
0x54: {  	_ =	shalt  }
0x55: {  	_ =	shalt  }
0x56: {  	_ =	shalt  }
0x57: {  	_ =	shalt  }
0x58: {  	_ =	shalt  }
0x59: {  	_ =	shalt  }
0x5a: {  	_ =	shalt  }
0x5b: {  	_ =	shalt  }
0x5c: {  	_ =	shalt  }
0x5d: {  	_ =	shalt  }
0x5e: {  	_ =	shalt  }
0x5f: {  	_ =	shalt  }
0x60: {  	_ =	shalt  }
0x61: {  	_ =	shalt  }
0x62: {  	_ =	shalt  }
0x63: {  	_ =	shalt  }
0x64: {  	_ =	shalt  }
0x65: {  	_ =	shalt  }
0x66: {  	_ =	shalt  }
0x67: {  	_ =	shalt  }
0x68: {  	_ =	shalt  }
0x69: {  	_ =	shalt  }
0x6a: {  	_ =	shalt  }
0x6b: {  	_ =	shalt  }
0x6c: {  	_ =	shalt  }
0x6d: {  	_ =	shalt  }
0x6e: {  	_ =	shalt  }
0x6f: {  	_ =	shalt  }
0x70: {  	_ =	shalt  }
0x71: {  	_ =	shalt  }
0x72: {  	_ =	shalt  }
0x73: {  	_ =	shalt  }
0x74: {  	_ =	shalt  }
0x75: {  	_ =	shalt  }
0x76: {  	_ =	shalt  }
0x77: {  	_ =	shalt  }
0x78: {  	_ =	shalt  }
0x79: {  	_ =	shalt  }
0x7a: {  	_ =	shalt  }
0x7b: {  	_ =	shalt  }
0x7c: {  	_ =	shalt  }
0x7d: {  	_ =	shalt  }
0x7e: {  	_ =	shalt  }
0x7f: {  	_ =	shalt  }
0x80: {  	_ =	shalt  }
0x81: {  	_ =	shalt  }
0x82: {  	_ =	shalt  }
0x83: {  	_ =	shalt  }
0x84: {  	_ =	shalt  }
0x85: {  	_ =	shalt  }
0x86: {  	_ =	shalt  }
0x87: {  	_ =	shalt  }
.Lfunc_end0:
.L_simem_size_0:
called_computation.2_lowered:
.L_overlay_start_0:
0x88: {  	s2 =	sld [smem:$0x3FD9]  }
0x89: {  	s3 =	sld [smem:$0x3FFE];
	_ =	sdelay $0x1  }
0x8a: {  	s1 =	srdreg.scid  }
0x8b: {  	s0 =	sand.u32 $0x1, s1  }
0x8c: {  	s17 =	sshll.u32 s0, $0xA;
	s2 =	sadd.s32 s3, s2  }
0x8d: {  	s2 =	sadd.s32 s2, s17  }
0x8e: {  	[smem:$0x3FC2] =	sst s2  }
0x8f: {  	_ = 	snop  }
0x90: {  	s2 =	sld [smem:$0x3FD0];
	(tm) =	ssettm $0x1  }
0x91: {  	s18 =	sld [smem:$0x3FFB];
	_ =	sdelay $0x3  }
0x92: {  	_ =	strace s18  }
0x93: {  	s3 =	sld [smem:$0x3FFC];
	_ =	sdelay $0x3  }
0x94: {  	_ =	strace s3  }
0x95: {  	s3 =	sld [smem:$0x3FFD];
	_ =	sdelay $0x3  }
0x96: {  	_ =	strace s3  }
0x97: {  	_ =	strace $0x8FFFFFFF  }
0x98: {  	s19 =	sld [smem:$0x3FDB];
	_ =	sdelay $0x1  }
0x99: {  	s4 =	simm.s32 $_scs_section_size  }
0x9a: {  	s5 =	simm.s32 $_size__tile_overlayer_lowered;
	s6 =	simm.s32 $_tile_overlayer_lowered  }
0x9b: {  	s22 =	simm.s32 $0x1BFF;
	s21 =	sshll.u32 s6, $0x1;
	s3 =	sadd.s32 s4, s19  }
0x9c: {  	s7 =	simm.s32 $0x0;
	s20 =	sshll.u32 s5, $0x1;
	s5 =	sadd.s32 s21, s3  }
0x9d: {  	[timem:s7], [sflag:s22] =	dma.local [hbm:s5], s20  }
0x9e: {  	_ =	swait.ge [sflag:s22], s20  }
0x9f: {  	s4 =	ssub.s32 $0x0, s20;
	[sflag:s22] =	ssyncset.done $0x0  }
0xa0: {  	[sflag:s22] =	ssyncadd.s32 s4;
	_ =	sdelay $0x1  }
0xa1: {  	s23 =	simm.s32 $0x1B8B  }
0xa2: {  	_ =	swait.ge [sflag:s23], $0x1  }
0xa3: {  	[sflag:s23] =	ssyncset.done $0x0  }
0xa4: {  	s25 =	simm.s32 $0x1B8E;
	s24 =	sld [smem:$0x3FFE];
	[sflag:s23] =	ssyncadd.s32 $0xFFFFFFFF  }
0xa5: {  	s26 =	simm.s32 $execute0_lowered;
	[smem:$0x3FD2] =	sst s25  }
0xa6: {  	s5 =	sshll.u32 s26, $0x1;
	_ =	strace $0x8000004C;
	[dreg:$0x1] =	wrdreg $0xFFFFFFFF  }
0xa7: {  	s28 =	simm.s32 $_size_execute0_lowered;
	s3 =	sadd.s32 s3, s5;
	[dreg:$0x0] =	wrdreg $0x0  }
0xa8: {  	s5 =	sshll.u32 s28, $0x1;
	[dreg:$0x2] =	wrdreg s3  }
0xa9: {  	[dreg:$0x3] =	wrdreg s5  }
0xaa: {  	[dreg:$0x4] =	wrdreg $0xC0  }
0xab: {  	_ =	task [dreg:s7], $0x5FFFF  }
0xac: {  	[dreg:$0x1] =	wrdreg $0xFFFFFFFF  }
0xad: {  	[dreg:$0x0] =	wrdreg $0x60  }
0xae: {  	[dreg:$0x2] =	wrdreg s2  }
0xaf: {  	[dreg:$0x3] =	wrdreg s24  }
0xb0: {  	[dreg:$0x4] =	wrdreg $0xBC000  }
0xb1: {  	[dreg:$0x5] =	wrdreg $0x9  }
0xb2: {  	_ =	task.clear_ibuf [dreg:s7], $0x6FFFF;
	_ =	strace $0x9000004C  }
0xb3: {  	s29 =	simm.s32 $0x9;
	_ =	strace $0x8000004E  }
0xb4: {  	_ =	swait.ge [sflag:s29], $0x1  }
0xb5: {  	[sflag:s29] =	ssyncadd.s32 $0xFFFFFFFF  }
0xb6: {  	_ =	strace $0x9000004E  }
0xb7: {  	_ =	sfence  }
0xb8: {  	s30 =	sld [smem:$0x0];
	_ =	sdelay $0x2  }
0xb9: {  	s31 =	sshll.u32 s1, $0xD;
	s1 =	sshrl.u32 s1, $0x2  }
0xba: {  	s3 =	sand.u32 $0x4000, s31;
	s1 =	sadd.s32 s1, s30  }
0xbb: {  	s0 =	sor.u32 s3, s0;
	s1 =	sshll.u32 s1, $0x11  }
0xbc: {  	s0 =	sor.u32 s1, s0  }
0xbd: {  	s0 =	sadd.s32 $0x8F2B, s0  }
0xbe: {  	[sflag:s0] =	ssyncadd.remote.s32 $0x1  }
0xbf: {  	_ =	sfence.sel $0xFFFF  }
0xc0: {  	[dreg:$0x0] =	wrdreg $0xFFFFFFFF;
	(pc) =	sbr.abs _section_cstart, $3  }
0xc1: {  	[dreg:$0x1] =	wrdreg $0xFFFFFFFF  }
0xc2: {  	_ =	task.clear_ibuf [dreg:s7], $0x2FFFF;
	_ =	strace $0x9FFFFFFF  }
0xc3: {  	(tm) =	ssettm $0x7FFFFFFF  }
tec
execute0_lowered:
.L_overlay_start_1:
0x0: {  	(tag) =	ssettag $0x1  }
0x1: {  	s0 =	rddreg [dreg:$0x0]  }
0x2: {  	s8 =	rddreg [dreg:$0x1];
	s1 =	srdreg.scid  }
0x3: {  	s3 =	rddreg [dreg:$0x2];
	s2 =	stileid.u32  }
0x4: {  	s4 =	simm.s32 $0x0;
	s19 =	simm.s32 $0x3;
	s20 =	simm.s32 $0x64  }
0x5: {  	s21 =	simm.s32 $0x80;
	s22 =	simm.s32 $0x5400;
	s23 =	simm.s32 $0x1  }
0x6: {  	s24 =	simm.s32 $0x2;
	s13 =	sand.u32 $0x1, s1;
	s9 =	smul.u32 $0x14000, s2  }
0x7: {  	[smem:$0x7FF] =	sst s4;
	s10 =	smul.u32 $0x50000, s2;
	s5 =	sadd.s32 $0x12C00, s8  }
0x8: {  	s6 =	sadd.s32 $0x2C00, s8;
	s15 =	sshll.u32 s2, $0xC;
	s7 =	smul.u32 $0x140000, s13  }
0x9: {  	_ =	strace $0x8000004D;
	s31 =	ssub.s32 $0x2, s13;
	s18 =	sshll.u32 s13, $0xB  }
0xa: {  	s10 =	sshrl.u32 s10, $0x2;
	s12 =	sshrl.u32 s31, $0x1;
	s15 =	sor.u32 s18, s15  }
0xb: {  	s18 =	simm.s32 $0x2000;
	s7 =	sadd.s32 s9, s7;
	s17 =	ssub.s32 s31, s12  }
0xc: {  	s11 =	sshrl.u32 s7, $0x3;
	s7 =	sadd.s32 s10, s3;
	s17 =	smax.u32 s17, $0x1  }
0xd: {  	s16 =	sadd.s32 s11, s8;
	s8 =	sadd.s32 $0x2800, s7;
	s9 =	sadd.s32 $0x5000, s7  }
0xe: {  	s10 =	sadd.s32 $0x7800, s7;
	s11 =	sadd.s32 $0xA000, s7;
	s12 =	sadd.s32 $0xC800, s7  }
0xf: {  	v0 =	vimm.f32 $0.0e+00;
	s13 =	sadd.s32 $0xF000, s7;
	s14 =	sadd.s32 $0x11800, s7;
	s16 =	sadd.s32 $0x72C00, s16  }
.LBB2_1:
0x10: {  	s25 =	simm.s32 $0x70;
	s26 =	simm.s32 $0x3C0  }
.LBB2_2:
0x11: {  	p0 =	sne.s32 s26, $0xC7C0;
	[tilespmem:s25+$0x2000] =	vst v0  }
0x12: {  	[tilespmem:s25+$0x1F90] =	vst v0  }
0x13: {  	[tilespmem:s25+$0x1FA0] =	vst v0  }
.Ltmp0:
0x14: {  	[tilespmem:s25+$0x1FB0] =	vst v0;
	(pc) =	sbr.rel @p0 .LBB2_2-.Ltmp0, $4  }
0x15: {  	[tilespmem:s25+$0x1FC0] =	vst v0  }
0x16: {  	[tilespmem:s25+$0x1FD0] =	vst v0  }
0x17: {  	[tilespmem:s25+$0x1FE0] =	vst v0  }
0x18: {  	[tilespmem:s25+$0x1FF0] =	vst v0;
	s25 =	sshra.s32 s26, $0x2;
	s26 =	sadd.s32 $0x200, s26  }
0x19: {  	[tilespmem:s25+$0x2000] =	vst v0  }
0x1a: {  	[tilespmem:s25+$0x1F90] =	vst v0  }
0x1b: {  	[tilespmem:s25+$0x1FA0] =	vst v0  }
0x1c: {  	[tilespmem:s25+$0x1FB0] =	vst v0  }
0x1d: {  	[tilespmem:s25+$0x1FC0] =	vst v0  }
0x1e: {  	[tilespmem:s25+$0x1FD0] =	vst v0  }
0x1f: {  	[tilespmem:s25+$0x1FE0] =	vst v0  }
0x20: {  	[tilespmem:s25+$0x1FF0] =	vst v0  }
0x21: {  	[spmem:s7] =	stream.linear.scatter [tilespmem:s18], [sflag:$0x3], $0x2800, $0x38;
	[tilespmem:$0x1FC00] =	vst v63  }
0x22: {  	_ =	swait.ge [sflag:s19], $0x2800  }
0x23: {  	[sflag:s19] =	ssyncset.done $0x0  }
0x24: {  	[sflag:s19] =	ssyncadd.s32 $0xFFFFD800  }
0x25: {  	[spmem:s8] =	stream.linear.scatter [tilespmem:s18], [sflag:$0x3], $0x2800, $0x38;
	[tilespmem:$0x1FC00] =	vst v63  }
0x26: {  	_ =	swait.ge [sflag:s19], $0x2800  }
0x27: {  	[sflag:s19] =	ssyncset.done $0x0  }
0x28: {  	[sflag:s19] =	ssyncadd.s32 $0xFFFFD800  }
0x29: {  	[spmem:s9] =	stream.linear.scatter [tilespmem:s18], [sflag:$0x3], $0x2800, $0x38;
	[tilespmem:$0x1FC00] =	vst v63  }
0x2a: {  	_ =	swait.ge [sflag:s19], $0x2800  }
0x2b: {  	[sflag:s19] =	ssyncset.done $0x0  }
0x2c: {  	[sflag:s19] =	ssyncadd.s32 $0xFFFFD800  }
0x2d: {  	[spmem:s10] =	stream.linear.scatter [tilespmem:s18], [sflag:$0x3], $0x2800, $0x38;
	[tilespmem:$0x1FC00] =	vst v63  }
0x2e: {  	_ =	swait.ge [sflag:s19], $0x2800  }
0x2f: {  	[sflag:s19] =	ssyncset.done $0x0  }
0x30: {  	[sflag:s19] =	ssyncadd.s32 $0xFFFFD800  }
0x31: {  	[spmem:s11] =	stream.linear.scatter [tilespmem:s18], [sflag:$0x3], $0x2800, $0x38;
	[tilespmem:$0x1FC00] =	vst v63  }
0x32: {  	_ =	swait.ge [sflag:s19], $0x2800  }
0x33: {  	[sflag:s19] =	ssyncset.done $0x0  }
0x34: {  	[sflag:s19] =	ssyncadd.s32 $0xFFFFD800  }
0x35: {  	[spmem:s12] =	stream.linear.scatter [tilespmem:s18], [sflag:$0x3], $0x2800, $0x38;
	[tilespmem:$0x1FC00] =	vst v63  }
0x36: {  	_ =	swait.ge [sflag:s19], $0x2800  }
0x37: {  	[sflag:s19] =	ssyncset.done $0x0  }
0x38: {  	[sflag:s19] =	ssyncadd.s32 $0xFFFFD800  }
0x39: {  	[spmem:s13] =	stream.linear.scatter [tilespmem:s18], [sflag:$0x3], $0x2800, $0x38;
	[tilespmem:$0x1FC00] =	vst v63  }
0x3a: {  	_ =	swait.ge [sflag:s19], $0x2800  }
0x3b: {  	[sflag:s19] =	ssyncset.done $0x0  }
0x3c: {  	[sflag:s19] =	ssyncadd.s32 $0xFFFFD800  }
0x3d: {  	[spmem:s14] =	stream.linear.scatter [tilespmem:s18], [sflag:$0x3], $0x2800, $0x38;
	[tilespmem:$0x1FC00] =	vst v63  }
0x3e: {  	_ =	swait.ge [sflag:s19], $0x2800  }
0x3f: {  	[sflag:s19] =	ssyncset.done $0x0  }
0x40: {  	[sflag:s19] =	ssyncadd.s32 $0xFFFFD800  }
0x41: {  	s25 =	simm.s32 $0x0;
	s26 =	simm.s32 $0x0;
	[bflag:$0x0] =	sbarrier.arrive $0xFFFF  }
.LBB2_4:
0x42: {  	s28 =	sshll.u32 s26, $0x9  }
0x43: {  	s28 =	sadd.s32 s15, s28  }
0x44: {  	s29 =	sadd.s32 s5, s28  }
0x45: {  	[tilespmem:s25], [sflag:$0x3] =	stream.linear.gather [hbm4b:s29+s25], $0xC80, $0x38;
	[tilespmem:$0x1FC00] =	vst v63  }
0x46: {  	_ =	swait.ge [sflag:s19], $0xC80  }
0x47: {  	[sflag:s19] =	ssyncset.done $0x0  }
0x48: {  	s29 =	sadd.s32 s6, s28;
	s28 =	simm.s32 $0x1000;
	[sflag:s19] =	ssyncadd.s32 $0xFFFFF380  }
0x49: {  	[tilespmem:s28], [sflag:$0x3] =	stream.linear.gather [hbm4b:s29+s25], $0xC80, $0x38;
	[tilespmem:$0x1FC00] =	vst v63  }
0x4a: {  	_ =	swait.ge [sflag:s19], $0xC80  }
0x4b: {  	[sflag:s19] =	ssyncset.done $0x0  }
0x4c: {  	[sflag:s19] =	ssyncadd.s32 $0xFFFFF380  }
0x4d: {  	[tilespmem:s18], [sflag:$0x1] =	stream.indirect.gather [hbm4b:s0+s20], $0x80, s25, s20, $0xb8;
	[tilespmem:$0x1FC00] =	vst v63  }
0x4e: {  	s30 =	simm.s32 $0x0;
	s29 =	simm.s32 $0x100  }
0x4f: {  	[tilespmem:s22], [sflag:$0x1] =	stream.indirect.gather [hbm4b:s0+s20], $0x80, s21, s20, $0xb8;
	[tilespmem:$0x1FC00] =	vst v63  }
.LBB2_5:
0x50: {  	_ =	swait.ge [sflag:s23], $0x3200  }
0x51: {  	p0 =	seq.s32 s30, $0x0;
	[sflag:s23] =	ssyncset.done $0x0  }
0x52: {  	s31 =	simm.s32 @!p0 $0x2;
	[sflag:s23] =	ssyncadd.s32 $0xFFFFCE00  }
0x53: {  	p1 =	sgt.u32 @!p0 s30, $0x16;
	_ =	swait.ge @!p0 [sflag:s31], $0x3200  }
0x54: {  	p1 =	por p0, !p1;
	[sflag:s31] =	ssyncset.done @!p0 $0x0  }
0x55: {  	[sflag:s31] =	ssyncadd.s32 @!p0 $0xFFFFCE00;
	s31 =	sadd.s32 @p1 $0x2, s30  }
0x56: {  	s1 =	smul.u32 @p1 $0xAB, s31;
	_ =	sdelay $0x1  }
0x57: {  	s1 =	sshrl.u32 @p1 s1, $0x9  }
0x58: {  	s1 =	sand.u32 @p1 $0x7F, s1  }
0x59: {  	s1 =	smul.u32 @p1 $0x3, s1;
	_ =	sdelay $0x1  }
0x5a: {  	s1 =	ssub.s32 @p1 s31, s1  }
0x5b: {  	s1 =	sand.u32 @p1 $0xFF, s1  }
0x5c: {  	s1 =	smul.u32 @p1 $0xD000, s1;
	_ =	sdelay $0x1  }
0x5d: {  	s1 =	sshrl.u32 @p1 s1, $0x2  }
0x5e: {  	s31 =	smul.u32 $0xAB, s30;
	s1 =	sadd.s32 @p1 $0x2000, s1  }
0x5f: {  	[tilespmem:s1], [sflag:$0x1] =	stream.indirect.gather @p1 [hbm4b:s0+s20], $0x80, s29, s20, $0xb8;
	[tilespmem:$0x1FC00] =	vst v63  }
0x60: {  	s1 =	sshrl.u32 s31, $0x9  }
0x61: {  	s1 =	sand.u32 $0x7F, s1  }
0x62: {  	s1 =	smul.u32 $0x3, s1;
	_ =	sdelay $0x1  }
0x63: {  	s1 =	ssub.s32 s30, s1  }
0x64: {  	s30 =	sadd.s32 $0x1, s30;
	s1 =	sand.u32 $0xFF, s1  }
0x65: {  	p0 =	sne.s32 s30, $0x19;
	s1 =	smul.u32 $0xD000, s1  }
.Ltmp1:
0x66: {  	_ = 	snop;
	(pc) =	sbr.rel @p0 .LBB2_5-.Ltmp1, $4  }
0x67: {  	s1 =	sshrl.u32 s1, $0x2  }
0x68: {  	s1 =	sadd.s32 $0x2000, s1  }
0x69: {  	[spmem:s3] =	stream.indirect.scatter.add.f32 [tilespmem:s1], [sflag:$0x2], $0x80, s28, s20, $0xb8;
	[tilespmem:$0x1FC00] =	vst v63  }
0x6a: {  	s29 =	sadd.s32 $0x80, s29;
	s28 =	sadd.s32 $0x80, s28  }
0x6b: {  	s26 =	sadd.s32 $0x1, s26  }
0x6c: {  	p0 =	sne.s32 s26, $0x4  }
.Ltmp2:
0x6d: {  	_ = 	snop;
	(pc) =	sbr.rel @p0 .LBB2_4-.Ltmp2, $4  }
0x6e: {  	_ = 	snop  }
0x6f: {  	_ =	swait.ge [sflag:s24], $0x3200  }
0x70: {  	[sflag:s24] =	ssyncset.done $0x0  }
0x71: {  	[sflag:s24] =	ssyncadd.s32 $0xFFFFCE00  }
0x72: {  	s4 =	sadd.s32 $0x1, s4  }
0x73: {  	s1 =	sshll.u32 s2, $0x6;
	[bflag:$0x0] =	sbarrier.arrive $0xFFFF;
	p0 =	sne.s32 s4, s17  }
.Ltmp3:
0x74: {  	s25 =	sshrl.u32 s7, $0x3;
	s1 =	sor.u32 $0x1C03, s1;
	(pc) =	sbr.rel @p0 .LBB2_1-.Ltmp3, $4  }
0x75: {  	[hbm:s16], [sflag:s1] =	dma.local [spmem:s25], $0x2800  }
0x76: {  	_ =	swait.ge [sflag:s19], $0x2800  }
0x77: {  	[sflag:s19] =	ssyncset.done $0x0  }
0x78: {  	[sflag:s19] =	ssyncadd.s32 $0xFFFFD800  }
0x79: {  	_ =	sfence.sel $0x180000  }
0x7a: {  	[bflag:$0x0] =	sbarrier.arrive $0xFFFF  }
0x7b: {  	_ =	strace $0x9000004D  }
0x7c: {  	[bflag:$0x2] =	sbarrier.arrive $0xFFFF  }
0x7d: {  	p0 =	sne.s32 s2, $0x0;
	s0 =	rddreg [dreg:$0x3]  }
0x7e: {  	s0 =	sadd.s32 @!p0 $0x100000, s0  }
0x7f: {  	[sflag:s0] =	ssyncadd.tile.s32 @!p0 $0x1;
	_ =	shalt  }
.Lfunc_end2:
_tile_overlayer_lowered:
.L_overlay_start_2:
0x80: {  	(tag) =	ssettag $0x2  }
0x81: {  	s0 =	rddreg [dreg:$0x0];
	s2 =	stileid.u32  }
0x82: {  	s1 =	rddreg [dreg:$0x1];
	p0 =	sne.s32 s2, $0x0  }
0x83: {  	s3 =	rddreg [dreg:$0x2];
	[bflag:$0x3] =	sbarrier.arrive $0xFFFF;
	s2 =	simm.s32 @!p0 $0x1C03  }
0x84: {  	[timem:s3], [sflag:s2] =	dma.local @!p0 [hbm:s0], s1  }
0x85: {  	s0 =	simm.s32 @!p0 $0x3  }
0x86: {  	_ =	swait.ge @!p0 [sflag:s0], s1  }
0x87: {  	s1 =	ssub.s32 @!p0 $0x0, s1;
	[sflag:s0] =	ssyncset.done @!p0 $0x0  }
0x88: {  	[sflag:s0] =	ssyncadd.s32 @!p0 s1  }
0x89: {  	[bflag:$0x3] =	sbarrier.arrive $0xFFFF  }
0x8a: {  	_ =	shalt  }

// kernel: kernel.8.cloned.1.call-start
scs
__scs_entry_jumppad:
0x0: {  	(pc) =	sbr.rel $0x88, $3  }
0x1: {  	(tag) =	ssettag $0x0;
	lr =	simm.s32 $0x1  }
0x2: {  	[smem:$0x3F9B] =	sst lr;
	_ =	strace $0xD0000000  }
0x3: {  	_ = 	snop  }
0x4: {  	_ = 	snop  }
0x5: {  	_ = 	snop  }
0x6: {  	_ = 	snop  }
0x7: {  	_ = 	snop  }
__scs_overlays_trampoline_lowered:
0x8: {  	[smem:$0x3FAA] =	sst s0  }
0x9: {  	[smem:$0x3FAB] =	sst s1  }
0xa: {  	[smem:$0x3FAC] =	sst s2  }
0xb: {  	[smem:$0x3FAD] =	sst s3  }
0xc: {  	[smem:$0x3FAE] =	sst s4  }
0xd: {  	[smem:$0x3FAF] =	sst s5  }
0xe: {  	[smem:$0x3FB0] =	sst s6  }
0xf: {  	[smem:$0x3FB1] =	sst s7  }
0x10: {  	[smem:$0x3FB2] =	sst s8  }
0x11: {  	[smem:$0x3FB3] =	sst s9;
	s0 =	simm.s32 @!p0 $0x0  }
0x12: {  	s1 =	sld [smem:$0x3F99];
	s0 =	simm.s32 @p0 $0x1  }
0x13: {  	[smem:$0x3FB4] =	sst s0;
	s0 =	simm.s32 @!p1 $0x0  }
0x14: {  	s2 =	sld [smem:$0x3F98];
	s0 =	simm.s32 @p1 $0x1  }
0x15: {  	[smem:$0x3FB5] =	sst s0;
	s0 =	simm.s32 @!p2 $0x0  }
0x16: {  	s3 =	sld [smem:$0x3FDB];
	s0 =	simm.s32 @p2 $0x1  }
0x17: {  	s4 =	simm.s32 $0x1BF5;
	[smem:$0x3FB7] =	sst s0  }
0x18: {  	s0 =	sld [smem:$0x3F9A];
	_ =	swait.ge [sflag:s4], $0x0  }
0x19: {  	s7 =	sld [smem:$0x3F9B]  }
0x1a: {  	s8 =	sadd.s32 $0xFFFFE003, lr  }
0x1b: {  	s9 =	sadd.s32 $0xFFFFFEF7, lr;
	s5 =	simm.s32 $0xFFFFFFFF;
	p2 =	slt.u32 s8, $0xFFFFF086  }
0x1c: {  	p1 =	slt.u32 s9, $0xF7A;
	s5 =	simm.s32 @!p2 $0x0  }
0x1d: {  	s5 =	simm.s32 @p1 $0x1;
	p0 =	seq.s32 s7, s2  }
0x1e: {  	s7 =	smul.u32 @!p0 $0xF7A, s2;
	p2 =	seq.s32 @!p0 s5, $0x0  }
0x1f: {  	s9 =	smul.u32 $0xF7A, s1;
	s8 =	simm.s32 @!p0 $0x1BF5;
	p2 =	por !p2, p0  }
0x20: {  	[sflag:s8] =	ssyncset.s32 @!p0 $0xFFFFF086;
	s6 =	sadd.s32 @!p0 s3, s7;
	s7 =	simm.s32 @!p0 $0x108  }
0x21: {  	s3 =	sadd.s32 s3, s9;
	s6 =	sadd.s32 @!p0 $0x88, s6;
	s7 =	simm.s32 @p2 $0x1082  }
0x22: {  	[simem:s7], [sflag:s8] =	dma.local @!p0 [hbm:s6], $0xF7A  }
0x23: {  	s9 =	sor.u32 $0xD0000000, s2;
	s6 =	simm.s32 $0x108;
	_ =	swait.ge @!p0 [sflag:s8], $0x0  }
0x24: {  	s3 =	sadd.s32 $0x88, s3;
	s6 =	simm.s32 @!p1 $0x1082;
	[sflag:s4] =	ssyncset.s32 $0xFFFFF086  }
0x25: {  	[simem:s6], [sflag:s4] =	dma.local [hbm:s3], $0xF7A  }
0x26: {  	[smem:$0x3F9B] =	sst s1;
	(tag) =	ssettag s2;
	_ =	strace s9  }
0x27: {  	s1 =	sld [smem:$0x3FAB]  }
0x28: {  	s2 =	sld [smem:$0x3FAC]  }
0x29: {  	s4 =	sld [smem:$0x3FAE]  }
0x2a: {  	p0 =	seq.s32 s5, $0x0;
	s5 =	sld [smem:$0x3FAF]  }
0x2b: {  	s6 =	sld [smem:$0x3FB0]  }
0x2c: {  	s7 =	sld [smem:$0x3FB1]  }
0x2d: {  	s3 =	simm.s32 $0x108;
	s8 =	sld [smem:$0x3FB2]  }
0x2e: {  	s3 =	simm.s32 @!p0 $0x1082;
	s9 =	sld [smem:$0x3FB3]  }
0x2f: {  	lr =	sadd.s32 s0, s3;
	s0 =	sld [smem:$0x3FAA]  }
0x30: {  	s3 =	sld [smem:$0x3FAD]  }
0x31: {  	[smem:$0x3FB6] =	sst s10  }
0x32: {  	s10 =	sld [smem:$0x3FB4];
	_ =	sdelay $0x3  }
0x33: {  	p0 =	seq.s32 s10, $0x1;
	s10 =	sld [smem:$0x3FB6];
	_ =	sdelay $0x3  }
0x34: {  	[smem:$0x3FB6] =	sst s10  }
0x35: {  	s10 =	sld [smem:$0x3FB5];
	_ =	sdelay $0x3  }
0x36: {  	p1 =	seq.s32 s10, $0x1;
	s10 =	sld [smem:$0x3FB6];
	_ =	sdelay $0x3  }
0x37: {  	[smem:$0x3FB6] =	sst s10  }
0x38: {  	s10 =	sld [smem:$0x3FB7]  }
0x39: {  	_ = 	snop;
	(pc) =	sbr.ind lr, $3  }
0x3a: {  	_ = 	snop  }
0x3b: {  	_ = 	snop  }
0x3c: {  	p2 =	seq.s32 s10, $0x1;
	s10 =	sld [smem:$0x3FB6]  }
0x3d: {  	_ =	shalt  }
0x3e: {  	_ =	shalt  }
0x3f: {  	_ =	shalt  }
0x40: {  	_ =	shalt  }
0x41: {  	_ =	shalt  }
0x42: {  	_ =	shalt  }
0x43: {  	_ =	shalt  }
0x44: {  	_ =	shalt  }
0x45: {  	_ =	shalt  }
0x46: {  	_ =	shalt  }
0x47: {  	_ =	shalt  }
0x48: {  	_ =	shalt  }
0x49: {  	_ =	shalt  }
0x4a: {  	_ =	shalt  }
0x4b: {  	_ =	shalt  }
0x4c: {  	_ =	shalt  }
0x4d: {  	_ =	shalt  }
0x4e: {  	_ =	shalt  }
0x4f: {  	_ =	shalt  }
0x50: {  	_ =	shalt  }
0x51: {  	_ =	shalt  }
0x52: {  	_ =	shalt  }
0x53: {  	_ =	shalt  }
0x54: {  	_ =	shalt  }
0x55: {  	_ =	shalt  }
0x56: {  	_ =	shalt  }
0x57: {  	_ =	shalt  }
0x58: {  	_ =	shalt  }
0x59: {  	_ =	shalt  }
0x5a: {  	_ =	shalt  }
0x5b: {  	_ =	shalt  }
0x5c: {  	_ =	shalt  }
0x5d: {  	_ =	shalt  }
0x5e: {  	_ =	shalt  }
0x5f: {  	_ =	shalt  }
0x60: {  	_ =	shalt  }
0x61: {  	_ =	shalt  }
0x62: {  	_ =	shalt  }
0x63: {  	_ =	shalt  }
0x64: {  	_ =	shalt  }
0x65: {  	_ =	shalt  }
0x66: {  	_ =	shalt  }
0x67: {  	_ =	shalt  }
0x68: {  	_ =	shalt  }
0x69: {  	_ =	shalt  }
0x6a: {  	_ =	shalt  }
0x6b: {  	_ =	shalt  }
0x6c: {  	_ =	shalt  }
0x6d: {  	_ =	shalt  }
0x6e: {  	_ =	shalt  }
0x6f: {  	_ =	shalt  }
0x70: {  	_ =	shalt  }
0x71: {  	_ =	shalt  }
0x72: {  	_ =	shalt  }
0x73: {  	_ =	shalt  }
0x74: {  	_ =	shalt  }
0x75: {  	_ =	shalt  }
0x76: {  	_ =	shalt  }
0x77: {  	_ =	shalt  }
0x78: {  	_ =	shalt  }
0x79: {  	_ =	shalt  }
0x7a: {  	_ =	shalt  }
0x7b: {  	_ =	shalt  }
0x7c: {  	_ =	shalt  }
0x7d: {  	_ =	shalt  }
0x7e: {  	_ =	shalt  }
0x7f: {  	_ =	shalt  }
0x80: {  	_ =	shalt  }
0x81: {  	_ =	shalt  }
0x82: {  	_ =	shalt  }
0x83: {  	_ =	shalt  }
0x84: {  	_ =	shalt  }
0x85: {  	_ =	shalt  }
0x86: {  	_ =	shalt  }
0x87: {  	_ =	shalt  }
.Lfunc_end0:
.L_simem_size_0:
called_computation_lowered:
.L_overlay_start_0:
0x88: {  	s2 =	sld [smem:$0x3FD9]  }
0x89: {  	s3 =	sld [smem:$0x3FFE];
	_ =	sdelay $0x1  }
0x8a: {  	s1 =	srdreg.scid  }
0x8b: {  	s0 =	sand.u32 $0x1, s1  }
0x8c: {  	s17 =	sshll.u32 s0, $0xA;
	s2 =	sadd.s32 s3, s2  }
0x8d: {  	s2 =	sadd.s32 s2, s17  }
0x8e: {  	[smem:$0x3FC2] =	sst s2  }
0x8f: {  	_ = 	snop  }
0x90: {  	s2 =	sld [smem:$0x3FD0];
	(tm) =	ssettm $0x1  }
0x91: {  	s18 =	sld [smem:$0x3FFB];
	_ =	sdelay $0x3  }
0x92: {  	_ =	strace s18  }
0x93: {  	s3 =	sld [smem:$0x3FFC];
	_ =	sdelay $0x3  }
0x94: {  	_ =	strace s3  }
0x95: {  	s3 =	sld [smem:$0x3FFD];
	_ =	sdelay $0x3  }
0x96: {  	_ =	strace s3  }
0x97: {  	_ =	strace $0x8FFFFFFF  }
0x98: {  	s19 =	sld [smem:$0x3FDB];
	_ =	sdelay $0x1  }
0x99: {  	s4 =	simm.s32 $_scs_section_size  }
0x9a: {  	s5 =	simm.s32 $_size__tile_overlayer_lowered;
	s6 =	simm.s32 $_tile_overlayer_lowered  }
0x9b: {  	s22 =	simm.s32 $0x1BFF;
	s21 =	sshll.u32 s6, $0x1;
	s3 =	sadd.s32 s4, s19  }
0x9c: {  	s7 =	simm.s32 $0x0;
	s20 =	sshll.u32 s5, $0x1;
	s5 =	sadd.s32 s21, s3  }
0x9d: {  	[timem:s7], [sflag:s22] =	dma.local [hbm:s5], s20  }
0x9e: {  	_ =	swait.ge [sflag:s22], s20  }
0x9f: {  	s4 =	ssub.s32 $0x0, s20;
	[sflag:s22] =	ssyncset.done $0x0  }
0xa0: {  	[sflag:s22] =	ssyncadd.s32 s4;
	_ =	sdelay $0x1  }
0xa1: {  	s23 =	simm.s32 $0x1B8B  }
0xa2: {  	_ =	swait.ge [sflag:s23], $0x1  }
0xa3: {  	[sflag:s23] =	ssyncset.done $0x0  }
0xa4: {  	s25 =	simm.s32 $0x1B8E;
	s24 =	sld [smem:$0x3FFE];
	[sflag:s23] =	ssyncadd.s32 $0xFFFFFFFF  }
0xa5: {  	s26 =	simm.s32 $execute0_lowered;
	[smem:$0x3FD2] =	sst s25  }
0xa6: {  	s5 =	sshll.u32 s26, $0x1;
	_ =	strace $0x80000046;
	[dreg:$0x1] =	wrdreg $0xFFFFFFFF  }
0xa7: {  	s28 =	simm.s32 $_size_execute0_lowered;
	s3 =	sadd.s32 s3, s5;
	[dreg:$0x0] =	wrdreg $0x0  }
0xa8: {  	s5 =	sshll.u32 s28, $0x1;
	[dreg:$0x2] =	wrdreg s3  }
0xa9: {  	[dreg:$0x3] =	wrdreg s5  }
0xaa: {  	[dreg:$0x4] =	wrdreg $0xC0  }
0xab: {  	_ =	task [dreg:s7], $0x5FFFF  }
0xac: {  	[dreg:$0x1] =	wrdreg $0xFFFFFFFF  }
0xad: {  	[dreg:$0x0] =	wrdreg $0x60  }
0xae: {  	[dreg:$0x2] =	wrdreg s2  }
0xaf: {  	[dreg:$0x3] =	wrdreg s24  }
0xb0: {  	[dreg:$0x4] =	wrdreg $0x37000  }
0xb1: {  	[dreg:$0x5] =	wrdreg $0x9  }
0xb2: {  	_ =	task.clear_ibuf [dreg:s7], $0x6FFFF;
	_ =	strace $0x90000046  }
0xb3: {  	s29 =	simm.s32 $0x9;
	_ =	strace $0x80000048  }
0xb4: {  	_ =	swait.ge [sflag:s29], $0x1  }
0xb5: {  	[sflag:s29] =	ssyncadd.s32 $0xFFFFFFFF  }
0xb6: {  	_ =	strace $0x90000048  }
0xb7: {  	_ =	sfence  }
0xb8: {  	s30 =	sld [smem:$0x0];
	_ =	sdelay $0x2  }
0xb9: {  	s31 =	sshll.u32 s1, $0xD;
	s1 =	sshrl.u32 s1, $0x2  }
0xba: {  	s3 =	sand.u32 $0x4000, s31;
	s1 =	sadd.s32 s1, s30  }
0xbb: {  	s0 =	sor.u32 s3, s0;
	s1 =	sshll.u32 s1, $0x11  }
0xbc: {  	s0 =	sor.u32 s1, s0  }
0xbd: {  	s0 =	sadd.s32 $0x8F2B, s0  }
0xbe: {  	[sflag:s0] =	ssyncadd.remote.s32 $0x1  }
0xbf: {  	_ =	sfence.sel $0xFFFF  }
0xc0: {  	[dreg:$0x0] =	wrdreg $0xFFFFFFFF;
	(pc) =	sbr.abs _section_cstart, $3  }
0xc1: {  	[dreg:$0x1] =	wrdreg $0xFFFFFFFF  }
0xc2: {  	_ =	task.clear_ibuf [dreg:s7], $0x2FFFF;
	_ =	strace $0x9FFFFFFF  }
0xc3: {  	(tm) =	ssettm $0x7FFFFFFF  }
tec
execute0_lowered:
.L_overlay_start_1:
0x0: {  	(tag) =	ssettag $0x1  }
0x1: {  	s5 =	rddreg [dreg:$0x0]  }
0x2: {  	s4 =	rddreg [dreg:$0x1]  }
0x3: {  	s2 =	rddreg [dreg:$0x2]  }
0x4: {  	s0 =	rddreg [dreg:$0x3]  }
0x5: {  	s3 =	simm.s32 $0x0;
	s6 =	srdreg.scid;
	s1 =	stileid.u32  }
0x6: {  	s11 =	simm.s32 $0x3400;
	s12 =	simm.s32 $0x80;
	s13 =	simm.s32 $0x100  }
0x7: {  	s14 =	simm.s32 $0x1;
	s17 =	simm.s32 $0x20;
	s18 =	simm.s32 $0x10  }
0x8: {  	s19 =	simm.s32 $0x0;
	[smem:$0x7FF] =	sst s3;
	s7 =	smul.u32 $0x500, s1  }
0x9: {  	s6 =	sand.u32 $0x1, s6;
	s9 =	sshll.u32 s1, $0x1;
	s30 =	smul.u32 $0xA00, s1  }
0xa: {  	s15 =	sshll.u32 s1, $0x6;
	_ =	strace $0x80000047;
	s8 =	sshll.u32 s6, $0x7  }
0xb: {  	s29 =	sor.u32 s6, s9;
	s6 =	ssub.s32 $0x2, s6;
	s15 =	sor.u32 $0x1C02, s15  }
0xc: {  	s7 =	sor.u32 s8, s7;
	s8 =	smul.u32 $0x680, s29;
	s31 =	sshrl.u32 s6, $0x1  }
0xd: {  	s9 =	sshrl.u32 s30, $0x2;
	s7 =	sshrl.u32 s7, $0x3;
	s10 =	ssub.s32 s6, s31  }
0xe: {  	s7 =	sadd.s32 s7, s4;
	s4 =	sadd.s32 s9, s2;
	s5 =	sadd.s32 s5, s8  }
0xf: {  	s8 =	simm.s32 $0x3480;
	s9 =	simm.s32 $0x2;
	s6 =	sadd.s32 $0x2200, s7  }
0x10: {  	v0 =	vimm.f32 $1.000000000e+00;
	v1 =	vimm.f32 $0.0e+00;
	s7 =	smax.u32 s10, $0x1;
	s10 =	simm.s32 $0x64;
	s16 =	sshrl.u32 s4, $0x3  }
.LBB2_1:
0x11: {  	[tilespmem:$0x3400] =	vst v0  }
0x12: {  	[tilespmem:$0x3410] =	vst v0  }
0x13: {  	[tilespmem:$0x3420] =	vst v0  }
0x14: {  	[tilespmem:$0x3430] =	vst v0  }
0x15: {  	[tilespmem:$0x3440] =	vst v0  }
0x16: {  	[tilespmem:$0x3450] =	vst v0  }
0x17: {  	[tilespmem:$0x3460] =	vst v0  }
0x18: {  	[tilespmem:$0x3480] =	vst v1  }
0x19: {  	[tilespmem:$0x3490] =	vst v1  }
0x1a: {  	[tilespmem:$0x34A0] =	vst v1  }
0x1b: {  	[tilespmem:$0x34B0] =	vst v1  }
0x1c: {  	[tilespmem:$0x34C0] =	vst v1  }
0x1d: {  	[tilespmem:$0x34D0] =	vst v1  }
0x1e: {  	[tilespmem:$0x34E0] =	vst v1  }
0x1f: {  	[tilespmem:$0x34F0] =	vst v1  }
0x20: {  	[tilespmem:$0x3500] =	vst v1  }
0x21: {  	[tilespmem:$0x3510] =	vst v1  }
0x22: {  	[tilespmem:$0x3520] =	vst v1  }
0x23: {  	[tilespmem:$0x3530] =	vst v1  }
0x24: {  	[tilespmem:$0x3540] =	vst v1  }
0x25: {  	[tilespmem:$0x3550] =	vst v1  }
0x26: {  	[tilespmem:$0x3560] =	vst v1  }
0x27: {  	[tilespmem:$0x3570] =	vst v1  }
0x28: {  	[tilespmem:$0x3580] =	vst v1  }
0x29: {  	[tilespmem:$0x3590] =	vst v1  }
0x2a: {  	[tilespmem:$0x35A0] =	vst v1  }
0x2b: {  	[tilespmem:$0x35B0] =	vst v1  }
0x2c: {  	[tilespmem:$0x35C0] =	vst v1  }
0x2d: {  	[tilespmem:$0x35D0] =	vst v1  }
0x2e: {  	[tilespmem:$0x35E0] =	vst v1  }
0x2f: {  	[tilespmem:$0x35F0] =	vst v1  }
0x30: {  	[tilespmem:$0x3600] =	vst v1  }
0x31: {  	[tilespmem:$0x3610] =	vst v1  }
0x32: {  	[tilespmem:$0x3620] =	vst v1  }
0x33: {  	[tilespmem:$0x3630] =	vst v1  }
0x34: {  	[tilespmem:$0x3640] =	vst v1  }
0x35: {  	[tilespmem:$0x3650] =	vst v1  }
0x36: {  	[tilespmem:$0x3660] =	vst v1  }
0x37: {  	[tilespmem:$0x3670] =	vst v1  }
0x38: {  	[tilespmem:$0x3680] =	vst v1  }
0x39: {  	[tilespmem:$0x3690] =	vst v1  }
0x3a: {  	[tilespmem:$0x36A0] =	vst v1  }
0x3b: {  	[tilespmem:$0x36B0] =	vst v1  }
0x3c: {  	[tilespmem:$0x36C0] =	vst v1  }
0x3d: {  	[tilespmem:$0x36D0] =	vst v1  }
0x3e: {  	[tilespmem:$0x36E0] =	vst v1  }
0x3f: {  	[tilespmem:$0x36F0] =	vst v1  }
0x40: {  	[spmem:s4] =	stream.linear.scatter [tilespmem:s8], [sflag:$0x2], $0x280, $0x38;
	[tilespmem:$0x3980] =	vst v63  }
0x41: {  	_ =	swait.ge [sflag:s9], $0x280  }
0x42: {  	[sflag:s9] =	ssyncset.done $0x0  }
0x43: {  	[sflag:s9] =	ssyncadd.s32 $0xFFFFFD80  }
0x44: {  	[tilespmem:s3], [sflag:$0x2] =	stream.linear.gather [hbm4b:s5+s3], $0x3200, $0x38;
	[tilespmem:$0x3980] =	vst v63  }
0x45: {  	_ =	swait.ge [sflag:s9], $0x3200  }
0x46: {  	[sflag:s9] =	ssyncset.done $0x0  }
0x47: {  	[sflag:s9] =	ssyncadd.s32 $0xFFFFCE00  }
0x48: {  	[bflag:$0x0] =	sbarrier.arrive $0xFFFF  }
0x49: {  	[spmem:s2] =	stream.indirect.scatter.add.f32 [tilespmem:s11], [sflag:$0x1], $0x1, s3, s10, $0xb8;
	[tilespmem:$0x3980] =	vst v63  }
0x4a: {  	_ = 	snop  }
0x4b: {  	[spmem:s2] =	stream.indirect.scatter.add.f32 [tilespmem:s11], [sflag:$0x1], $0x1, s12, s10, $0xb8;
	[tilespmem:$0x3980] =	vst v63  }
0x4c: {  	_ = 	snop  }
0x4d: {  	[spmem:s2] =	stream.indirect.scatter.add.f32 [tilespmem:s11], [sflag:$0x1], $0x1, s13, s10, $0xb8;
	[tilespmem:$0x3980] =	vst v63  }
0x4e: {  	s20 =	simm.s32 $0x180  }
0x4f: {  	[spmem:s2] =	stream.indirect.scatter.add.f32 [tilespmem:s11], [sflag:$0x1], $0x1, s20, s10, $0xb8;
	[tilespmem:$0x3980] =	vst v63  }
0x50: {  	_ =	swait.ge [sflag:s14], $0x64  }
0x51: {  	s20 =	simm.s32 $0x800;
	[sflag:s14] =	ssyncset.done $0x0  }
.LBB2_2:
0x52: {  	s21 =	sshra.s32 s20, $0x2;
	[sflag:s14] =	ssyncadd.s32 $0xFFFFFF9C;
	p0 =	sne.s32 s20, $0xC600  }
0x53: {  	[spmem:s2] =	stream.indirect.scatter.add.f32 [tilespmem:s11], [sflag:$0x1], $0x1, s21, s10, $0xb8;
	[tilespmem:$0x3980] =	vst v63  }
.Ltmp0:
0x54: {  	_ = 	snop;
	(pc) =	sbr.rel @p0 .LBB2_2-.Ltmp0, $4  }
0x55: {  	_ = 	snop  }
0x56: {  	s20 =	sadd.s32 $0x200, s20  }
0x57: {  	_ =	swait.ge [sflag:s14], $0x64  }
0x58: {  	[sflag:s14] =	ssyncset.done $0x0  }
0x59: {  	[sflag:s14] =	ssyncadd.s32 $0xFFFFFF9C  }
0x5a: {  	_ =	swait.ge [sflag:s14], $0x64  }
0x5b: {  	[sflag:s14] =	ssyncset.done $0x0  }
0x5c: {  	[sflag:s14] =	ssyncadd.s32 $0xFFFFFF9C  }
0x5d: {  	_ =	swait.ge [sflag:s14], $0x64  }
0x5e: {  	[sflag:s14] =	ssyncset.done $0x0  }
0x5f: {  	[sflag:s14] =	ssyncadd.s32 $0xFFFFFF9C  }
0x60: {  	_ =	swait.ge [sflag:s14], $0x64  }
0x61: {  	s19 =	sadd.s32 $0x1, s19;
	[sflag:s14] =	ssyncset.done $0x0  }
0x62: {  	p0 =	sne.s32 s19, s7;
	[sflag:s14] =	ssyncadd.s32 $0xFFFFFF9C  }
.Ltmp1:
0x63: {  	[bflag:$0x0] =	sbarrier.arrive $0xFFFF;
	(pc) =	sbr.rel @p0 .LBB2_1-.Ltmp1, $4  }
0x64: {  	[hbm:s6@s17], [sflag:s15] =	dma.strided [spmem:s16@s18], $0x50, s14, $0x10   }
0x65: {  	_ =	swait.ge [sflag:s9], $0x50  }
0x66: {  	[sflag:s9] =	ssyncset.done $0x0  }
0x67: {  	[sflag:s9] =	ssyncadd.s32 $0xFFFFFFB0  }
0x68: {  	_ =	sfence.sel $0x180000  }
0x69: {  	[bflag:$0x0] =	sbarrier.arrive $0xFFFF  }
0x6a: {  	p0 =	sne.s32 s1, $0x0;
	_ =	strace $0x90000047  }
0x6b: {  	s0 =	sadd.s32 @!p0 $0x100000, s0;
	[bflag:$0x2] =	sbarrier.arrive $0xFFFF  }
0x6c: {  	[sflag:s0] =	ssyncadd.tile.s32 @!p0 $0x1;
	_ =	shalt  }
.Lfunc_end2:
_tile_overlayer_lowered:
.L_overlay_start_2:
0x6d: {  	(tag) =	ssettag $0x2  }
0x6e: {  	s0 =	rddreg [dreg:$0x0];
	s2 =	stileid.u32  }
0x6f: {  	s1 =	rddreg [dreg:$0x1];
	p0 =	sne.s32 s2, $0x0  }
0x70: {  	s3 =	rddreg [dreg:$0x2];
	[bflag:$0x3] =	sbarrier.arrive $0xFFFF;
	s2 =	simm.s32 @!p0 $0x1C02  }
0x71: {  	[timem:s3], [sflag:s2] =	dma.local @!p0 [hbm:s0], s1  }
0x72: {  	s0 =	simm.s32 @!p0 $0x2  }
0x73: {  	_ =	swait.ge @!p0 [sflag:s0], s1  }
0x74: {  	s1 =	ssub.s32 @!p0 $0x0, s1;
	[sflag:s0] =	ssyncset.done @!p0 $0x0  }
0x75: {  	[sflag:s0] =	ssyncadd.s32 @!p0 s1  }
0x76: {  	[bflag:$0x3] =	sbarrier.arrive $0xFFFF  }
0x77: {  	_ =	shalt  }

</sc_bundles>
